<compile_context>
chip_gen: v7x
topology: tpu7x:2x2x1
jax: 0.10.2.dev20260603
libtpu: 0.0.44.dev20260713+nightly
codegen_flags: <defaults>
</compile_context>

<pallas_src>
import functools

import jax
import jax.numpy as jnp
from jax import lax
from jax.experimental import pallas as pl
from jax.experimental.pallas import tpu as pltpu
from jax.experimental.pallas import tpu_sc as plsc

NC = 2
NS = 16
LANES = 16
EDGE_CHUNK = 80
COPY_ROWS = 200

_BN_EPS = 1e-5
_DEG_W = 16


def _sc_mesh():
    return plsc.VectorSubcoreMesh(
        core_axis_name="c", subcore_axis_name="s", num_cores=NC, num_subcores=NS
    )


def _chunk_sweep(s, nchunk, fn):
    jmax = -(-nchunk // NS)
    for j in range(jmax):
        cid = s + j * NS

        @pl.when(cid < nchunk)
        def _():
            fn(pl.multiple_of(cid * COPY_ROWS, 8))


@functools.cache
def _deg_call(n, e):
    ept = e // (NC * NS)
    chunks = ept // EDGE_CHUNK
    nchunk = n // COPY_ROWS

    def body(dst_hbm, out_hbm, ones_v, idx_v, cbuf, acc_sh):
        c = lax.axis_index("c")
        s = lax.axis_index("s")

        def fill(i, carry):
            ones_v[i] = jnp.ones((LANES,), jnp.float32)
            return carry

        lax.fori_loop(0, EDGE_CHUNK, fill, 0)

        def zfill(i, carry):
            cbuf[i] = jnp.zeros((LANES,), jnp.float32)
            return carry

        lax.fori_loop(0, COPY_ROWS, zfill, 0)
        _chunk_sweep(s, nchunk, lambda r0: pltpu.sync_copy(
            cbuf, acc_sh.at[pl.ds(r0, COPY_ROWS)]))
        plsc.subcore_barrier()

        base = (c * NS + s) * ept

        def step(i, carry):
            pltpu.sync_copy(dst_hbm.at[pl.ds(base + i * EDGE_CHUNK, EDGE_CHUNK)], idx_v)
            pltpu.sync_copy(ones_v, acc_sh.at[idx_v], add=True)
            return carry

        lax.fori_loop(0, chunks, step, 0)
        plsc.subcore_barrier()

        def copy_out(r0):
            pltpu.sync_copy(acc_sh.at[pl.ds(r0, COPY_ROWS)], cbuf)
            pltpu.sync_copy(cbuf, out_hbm.at[c, pl.ds(r0, COPY_ROWS)])

        _chunk_sweep(s, nchunk, copy_out)

    return pl.kernel(
        body,
        out_type=jax.ShapeDtypeStruct((NC, n, _DEG_W), jnp.float32),
        mesh=_sc_mesh(),
        scratch_types=[
            pltpu.VMEM((EDGE_CHUNK, _DEG_W), jnp.float32),
            pltpu.VMEM((EDGE_CHUNK,), jnp.int32),
            pltpu.VMEM((COPY_ROWS, _DEG_W), jnp.float32),
            pltpu.VMEM_SHARED((n, _DEG_W), jnp.float32),
        ],
    )


@functools.cache
def _agg_call(n, e, f):
    ept = e // (NC * NS)
    chunks = ept // EDGE_CHUNK
    nchunk = n // COPY_ROWS
    nf = f // LANES

    def body(tab_hbm, src_hbm, dst_hbm, out_hbm, idx_s, idx_d, rows, cbuf, acc_sh, sem):
        c = lax.axis_index("c")
        s = lax.axis_index("s")

        def zfill(i, carry):
            for k in range(nf):
                cbuf[i, pl.ds(k * LANES, LANES)] = jnp.zeros((LANES,), jnp.float32)
            return carry

        lax.fori_loop(0, COPY_ROWS, zfill, 0)
        _chunk_sweep(s, nchunk, lambda r0: pltpu.sync_copy(
            cbuf, acc_sh.at[pl.ds(r0, COPY_ROWS)]))
        plsc.subcore_barrier()

        base = (c * NS + s) * ept

        def step(i, carry):
            pltpu.sync_copy(src_hbm.at[pl.ds(base + i * EDGE_CHUNK, EDGE_CHUNK)], idx_s)
            pltpu.sync_copy(dst_hbm.at[pl.ds(base + i * EDGE_CHUNK, EDGE_CHUNK)], idx_d)
            pltpu.async_copy(tab_hbm.at[idx_s], rows, sem).wait()
            pltpu.sync_copy(rows, acc_sh.at[idx_d], add=True)
            return carry

        lax.fori_loop(0, chunks, step, 0)
        plsc.subcore_barrier()

        def copy_out(r0):
            pltpu.sync_copy(acc_sh.at[pl.ds(r0, COPY_ROWS)], cbuf)
            pltpu.sync_copy(cbuf, out_hbm.at[c, pl.ds(r0, COPY_ROWS)])

        _chunk_sweep(s, nchunk, copy_out)

    return pl.kernel(
        body,
        out_type=jax.ShapeDtypeStruct((NC, n, f), jnp.float32),
        mesh=_sc_mesh(),
        scratch_types=[
            pltpu.VMEM((EDGE_CHUNK,), jnp.int32),
            pltpu.VMEM((EDGE_CHUNK,), jnp.int32),
            pltpu.VMEM((EDGE_CHUNK, f), jnp.float32),
            pltpu.VMEM((COPY_ROWS, f), jnp.float32),
            pltpu.VMEM_SHARED((n, f), jnp.float32),
            pltpu.SemaphoreType.DMA,
        ],
    )


def _prep_body(dp_ref, x_ref, xs_ref, dinv_ref):
    dp = dp_ref[...]
    deg = dp[0, :, 0:1] + dp[1, :, 0:1] + 1.0
    dinv = lax.rsqrt(deg)
    dinv_ref[...] = dinv
    xs_ref[...] = x_ref[...] * dinv


def _mid_body(acc_ref, xs_ref, dinv_ref, w1_ref, b1_ref, g1_ref, be1_ref, w2_ref, ys_ref):
    acc = acc_ref[...]
    dinv = dinv_ref[...]
    z = (acc[0] + acc[1] + xs_ref[...]) * dinv
    h = jnp.dot(z, w1_ref[...], preferred_element_type=jnp.float32) + b1_ref[...]
    mean = jnp.mean(h, axis=0, keepdims=True)
    var = jnp.mean((h - mean) ** 2, axis=0, keepdims=True)
    hn = (h - mean) * lax.rsqrt(var + _BN_EPS) * g1_ref[...] + be1_ref[...]
    hn = jnp.maximum(hn, 0.0)
    y = jnp.dot(hn, w2_ref[...], preferred_element_type=jnp.float32)
    ys_ref[...] = y * dinv


def _fin_body(acc_ref, ys_ref, dinv_ref, b2_ref, out_ref):
    acc = acc_ref[...]
    out_ref[...] = (acc[0] + acc[1] + ys_ref[...]) * dinv_ref[...] + b2_ref[...]


def kernel(x, edge_index, W1, b1, gamma1, beta1, W2, b2):
    n, f = x.shape
    e = edge_index.shape[1]
    src = edge_index[0].astype(jnp.int32)
    dst = edge_index[1].astype(jnp.int32)

    deg_parts = _deg_call(n, e)(dst)
    xs, dinv = pl.pallas_call(
        _prep_body,
        out_shape=[
            jax.ShapeDtypeStruct((n, f), jnp.float32),
            jax.ShapeDtypeStruct((n, 1), jnp.float32),
        ],
    )(deg_parts, x)

    agg = _agg_call(n, e, f)
    acc1 = agg(xs, src, dst)

    ys = pl.pallas_call(
        _mid_body,
        out_shape=jax.ShapeDtypeStruct((n, W2.shape[1]), jnp.float32),
    )(
        acc1, xs, dinv, W1,
        b1.reshape(1, -1), gamma1.reshape(1, -1), beta1.reshape(1, -1), W2,
    )

    acc2 = agg(ys, src, dst)
    out = pl.pallas_call(
        _fin_body,
        out_shape=jax.ShapeDtypeStruct((n, W2.shape[1]), jnp.float32),
    )(acc2, ys, dinv, b2.reshape(1, -1))
    return out

# --- scband reference (transcript-rebuilt; emitter-appended) ---
"""Pipeline reference for scband-gcnexpert-2310692405501 (READ-ONLY COPY).

The authoritative reference and input builder live on the scoring server;
editing this copy changes nothing except your own understanding.
"""

import jax, jax.numpy as jnp
import numpy as np

N_NODES = 10000
N_EDGES = 320000

def gcn_conv(x, src, dst, n, W, b):
    # linear transform first (PyG GCNConv order)
    x = x @ W
    # add self loops
    loop = jnp.arange(n, dtype=src.dtype)
    src2 = jnp.concatenate([src, loop])
    dst2 = jnp.concatenate([dst, loop])
    ones = jnp.ones(src2.shape[0], dtype=x.dtype)
    deg = jax.ops.segment_sum(ones, dst2, num_segments=n)
    dinv = jnp.where(deg > 0, jax.lax.rsqrt(jnp.maximum(deg, 1e-12)), 0.0)
    norm = dinv[src2] * dinv[dst2]
    msg = x[src2] * norm[:, None]
    out = jax.ops.segment_sum(msg, dst2, num_segments=n)
    return out + b

def batch_norm(x, gamma, beta, eps=1e-5):
    mean = jnp.mean(x, axis=0, keepdims=True)
    var = jnp.var(x, axis=0, keepdims=True)
    return (x - mean) * jax.lax.rsqrt(var + eps) * gamma + beta

def setup_inputs(seed: int = 0) -> dict:
    key = jax.random.key(seed)
    ks = jax.random.split(key, 8)
    x = jax.random.normal(ks[0], (N_NODES, 128), dtype=jnp.float32)
    edge_index = jax.random.randint(ks[1], (2, N_EDGES), 0, N_NODES, dtype=jnp.int64)
    W1 = jax.random.normal(ks[2], (128, 256), dtype=jnp.float32) * (1.0 / np.sqrt(128))
    b1 = jnp.zeros((256,), dtype=jnp.float32)
    gamma1 = jnp.ones((256,), dtype=jnp.float32)
    beta1 = jnp.zeros((256,), dtype=jnp.float32)
    W2 = jax.random.normal(ks[3], (256, 128), dtype=jnp.float32) * (1.0 / np.sqrt(256))
    b2 = jnp.zeros((128,), dtype=jnp.float32)
    return {"x": x, "edge_index": edge_index, "W1": W1, "b1": b1, "gamma1": gamma1, "beta1": beta1, "W2": W2, "b2": b2}

def reference(x, edge_index, W1, b1, gamma1, beta1, W2, b2):
    src = edge_index[0]
    dst = edge_index[1]
    n = x.shape[0]
    h = gcn_conv(x, src, dst, n, W1, b1)
    h = jax.nn.relu(batch_norm(h, gamma1, beta1))
    # dropout is identity in eval mode
    out = gcn_conv(h, src, dst, n, W2, b2)
    return out

if __name__ == "__main__":
    import jax
    _d = setup_inputs()
    print(jax.jit(kernel)(*tuple(_d.values())))

</pallas_src>

<mosaic_0001>
#map = affine_map<(d0, d1) -> (0)>
#map1 = affine_map<(d0, d1) -> (0, 0, 0)>
module attributes {stable_mosaic.version = 14 : i64} {
  func.func @body(%arg0: i32, %arg1: i32, %arg2: memref<320000xi32, #tpu.memory_space<hbm>>, %arg3: memref<2x10000x16xf32, #tpu.memory_space<hbm>>, %arg4: memref<80x16xf32, #tpu.memory_space<vmem>>, %arg5: memref<80xi32, #tpu.memory_space<vmem>>, %arg6: memref<200x16xf32, #tpu.memory_space<vmem>>, %arg7: memref<10000x16xf32, #tpu.memory_space<vmem_shared>>) attributes {dimension_semantics = [#tpu.dimension_semantics<core_parallel>, #tpu.dimension_semantics<subcore_parallel>], iteration_bounds = array<i64: 2, 16>, scalar_prefetch = 0 : i64, scratch_operands = 4 : i64, tpu.core_type = #tpu.core_type<sc_vector_subcore>, window_params = [{transform_indices = #map}, {transform_indices = #map1}]} {
    %scan3A = arith.constant 0 : i32
    %scan3A_0 = arith.constant 0 : i32
    %scan3A_1 = arith.constant 80 : i32
    %scan3A_2 = arith.addi %scan3A_0, %scan3A_1 : i32
    %scan3A_3 = arith.constant 1 : i32
    scf.for %scan3A_74 = %scan3A_0 to %scan3A_2 step %scan3A_3  : i32 {
      %broadcast_in_dim3A = arith.constant 1.000000e+00 : f32
      %broadcast_in_dim3A_75 = vector.broadcast %broadcast_in_dim3A : f32 to vector<16xf32>
      %swap3A = arith.index_cast %scan3A_74 : i32 to index
      %swap3A_76 = arith.constant 0 : index
      %swap3A_77 = tpu.vector_load %arg4[%swap3A, %swap3A_76] {strides = array<i32>} : memref<80x16xf32, #tpu.memory_space<vmem>>, vector<1x16xf32>,
      %swap3A_78 = vector.shape_cast %swap3A_77 : vector<1x16xf32> to vector<16xf32>
      %swap3A_79 = vector.shape_cast %broadcast_in_dim3A_75 : vector<16xf32> to vector<1x16xf32>
      tpu.vector_store %arg4[%swap3A, %swap3A_76], %swap3A_79 {strides = array<i32>} : memref<80x16xf32, #tpu.memory_space<vmem>>, vector<1x16xf32>,
    }
    %scan3A_4 = arith.constant 80 : i32
    %scan3A_5 = arith.constant 0 : i32
    %scan3A_6 = arith.constant 0 : i32
    %scan3A_7 = arith.constant 200 : i32
    %scan3A_8 = arith.addi %scan3A_6, %scan3A_7 : i32
    %scan3A_9 = arith.constant 1 : i32
    scf.for %scan3A_74 = %scan3A_6 to %scan3A_8 step %scan3A_9  : i32 {
      %broadcast_in_dim3A = arith.constant 0.000000e+00 : f32
      %broadcast_in_dim3A_75 = vector.broadcast %broadcast_in_dim3A : f32 to vector<16xf32>
      %swap3A = arith.index_cast %scan3A_74 : i32 to index
      %swap3A_76 = arith.constant 0 : index
      %swap3A_77 = tpu.vector_load %arg6[%swap3A, %swap3A_76] {strides = array<i32>} : memref<200x16xf32, #tpu.memory_space<vmem>>, vector<1x16xf32>,
      %swap3A_78 = vector.shape_cast %swap3A_77 : vector<1x16xf32> to vector<16xf32>
      %swap3A_79 = vector.shape_cast %broadcast_in_dim3A_75 : vector<16xf32> to vector<1x16xf32>
      tpu.vector_store %arg6[%swap3A, %swap3A_76], %swap3A_79 {strides = array<i32>} : memref<200x16xf32, #tpu.memory_space<vmem>>, vector<1x16xf32>,
    }
    %scan3A_10 = arith.constant 200 : i32
    %add3A = arith.constant 0 : i32
    %add3A_11 = arith.addi %arg1, %add3A : i32
    %lt3A = arith.constant 50 : i32
    %lt3A_12 = arith.cmpi slt, %add3A_11, %lt3A : i32
    %convert_element_type3A = arith.extui %lt3A_12 : i1 to i32
    %cond3A = arith.constant 0 : i32
    %cond3A_13 = arith.cmpi ne, %convert_element_type3A, %cond3A : i32
    scf.if %cond3A_13 {
      %mul3A_74 = arith.constant 200 : i32
      %mul3A_75 = arith.muli %add3A_11, %mul3A_74 : i32
      %multiple_of3A = tpu.assume_multiple %mul3A_75, 8 : i32
      "tpu.region"() ({
        %run_scoped3A = tpu.sem_alloc : memref<!tpu.dma_semaphore, #tpu.memory_space<semaphore_mem>>
        %dma_start3A = arith.constant 0 : i32
        %dma_start3A_76 = tpu.memref_slice %arg7[%multiple_of3A, %dma_start3A] : memref<10000x16xf32, #tpu.memory_space<vmem_shared>> -> memref<200x16xf32, #tpu.memory_space<vmem_shared>>
        %dma_start3A_77 = arith.constant 0 : i32
        %dma_start3A_78 = tpu.memref_slice %arg7[%multiple_of3A, %dma_start3A_77] : memref<10000x16xf32, #tpu.memory_space<vmem_shared>> -> memref<200x16xf32, #tpu.memory_space<vmem_shared>>
        tpu.enqueue_dma source(%arg6 : memref<200x16xf32, #tpu.memory_space<vmem>>) target(%dma_start3A_78 : memref<200x16xf32, #tpu.memory_space<vmem_shared>>) target_semaphore(%run_scoped3A : memref<!tpu.dma_semaphore, #tpu.memory_space<semaphore_mem>>)
        %dma_wait3A = arith.constant 0 : i32
        %dma_wait3A_79 = tpu.memref_slice %arg7[%multiple_of3A, %dma_wait3A] : memref<10000x16xf32, #tpu.memory_space<vmem_shared>> -> memref<200x16xf32, #tpu.memory_space<vmem_shared>>
        %dma_wait3A_80 = arith.constant 0 : i32
        %dma_wait3A_81 = tpu.memref_slice %arg7[%multiple_of3A, %dma_wait3A_80] : memref<10000x16xf32, #tpu.memory_space<vmem_shared>> -> memref<200x16xf32, #tpu.memory_space<vmem_shared>>
        tpu.wait_dma2 semaphore(%run_scoped3A : memref<!tpu.dma_semaphore, #tpu.memory_space<semaphore_mem>>) src(%arg6 : memref<200x16xf32, #tpu.memory_space<vmem>>) dst(%dma_wait3A_81 : memref<200x16xf32, #tpu.memory_space<vmem_shared>>)
        tpu.yield
      }) : () -> ()
    } else {
    }
    %add3A_14 = arith.constant 16 : i32
    %add3A_15 = arith.addi %arg1, %add3A_14 : i32
    %lt3A_16 = arith.constant 50 : i32
    %lt3A_17 = arith.cmpi slt, %add3A_15, %lt3A_16 : i32
    %convert_element_type3A_18 = arith.extui %lt3A_17 : i1 to i32
    %cond3A_19 = arith.constant 0 : i32
    %cond3A_20 = arith.cmpi ne, %convert_element_type3A_18, %cond3A_19 : i32
    scf.if %cond3A_20 {
      %mul3A_74 = arith.constant 200 : i32
      %mul3A_75 = arith.muli %add3A_15, %mul3A_74 : i32
      %multiple_of3A = tpu.assume_multiple %mul3A_75, 8 : i32
      "tpu.region"() ({
        %run_scoped3A = tpu.sem_alloc : memref<!tpu.dma_semaphore, #tpu.memory_space<semaphore_mem>>
        %dma_start3A = arith.constant 0 : i32
        %dma_start3A_76 = tpu.memref_slice %arg7[%multiple_of3A, %dma_start3A] : memref<10000x16xf32, #tpu.memory_space<vmem_shared>> -> memref<200x16xf32, #tpu.memory_space<vmem_shared>>
        %dma_start3A_77 = arith.constant 0 : i32
        %dma_start3A_78 = tpu.memref_slice %arg7[%multiple_of3A, %dma_start3A_77] : memref<10000x16xf32, #tpu.memory_space<vmem_shared>> -> memref<200x16xf32, #tpu.memory_space<vmem_shared>>
        tpu.enqueue_dma source(%arg6 : memref<200x16xf32, #tpu.memory_space<vmem>>) target(%dma_start3A_78 : memref<200x16xf32, #tpu.memory_space<vmem_shared>>) target_semaphore(%run_scoped3A : memref<!tpu.dma_semaphore, #tpu.memory_space<semaphore_mem>>)
        %dma_wait3A = arith.constant 0 : i32
        %dma_wait3A_79 = tpu.memref_slice %arg7[%multiple_of3A, %dma_wait3A] : memref<10000x16xf32, #tpu.memory_space<vmem_shared>> -> memref<200x16xf32, #tpu.memory_space<vmem_shared>>
        %dma_wait3A_80 = arith.constant 0 : i32
        %dma_wait3A_81 = tpu.memref_slice %arg7[%multiple_of3A, %dma_wait3A_80] : memref<10000x16xf32, #tpu.memory_space<vmem_shared>> -> memref<200x16xf32, #tpu.memory_space<vmem_shared>>
        tpu.wait_dma2 semaphore(%run_scoped3A : memref<!tpu.dma_semaphore, #tpu.memory_space<semaphore_mem>>) src(%arg6 : memref<200x16xf32, #tpu.memory_space<vmem>>) dst(%dma_wait3A_81 : memref<200x16xf32, #tpu.memory_space<vmem_shared>>)
        tpu.yield
      }) : () -> ()
    } else {
    }
    %add3A_21 = arith.constant 32 : i32
    %add3A_22 = arith.addi %arg1, %add3A_21 : i32
    %lt3A_23 = arith.constant 50 : i32
    %lt3A_24 = arith.cmpi slt, %add3A_22, %lt3A_23 : i32
    %convert_element_type3A_25 = arith.extui %lt3A_24 : i1 to i32
    %cond3A_26 = arith.constant 0 : i32
    %cond3A_27 = arith.cmpi ne, %convert_element_type3A_25, %cond3A_26 : i32
    scf.if %cond3A_27 {
      %mul3A_74 = arith.constant 200 : i32
      %mul3A_75 = arith.muli %add3A_22, %mul3A_74 : i32
      %multiple_of3A = tpu.assume_multiple %mul3A_75, 8 : i32
      "tpu.region"() ({
        %run_scoped3A = tpu.sem_alloc : memref<!tpu.dma_semaphore, #tpu.memory_space<semaphore_mem>>
        %dma_start3A = arith.constant 0 : i32
        %dma_start3A_76 = tpu.memref_slice %arg7[%multiple_of3A, %dma_start3A] : memref<10000x16xf32, #tpu.memory_space<vmem_shared>> -> memref<200x16xf32, #tpu.memory_space<vmem_shared>>
        %dma_start3A_77 = arith.constant 0 : i32
        %dma_start3A_78 = tpu.memref_slice %arg7[%multiple_of3A, %dma_start3A_77] : memref<10000x16xf32, #tpu.memory_space<vmem_shared>> -> memref<200x16xf32, #tpu.memory_space<vmem_shared>>
        tpu.enqueue_dma source(%arg6 : memref<200x16xf32, #tpu.memory_space<vmem>>) target(%dma_start3A_78 : memref<200x16xf32, #tpu.memory_space<vmem_shared>>) target_semaphore(%run_scoped3A : memref<!tpu.dma_semaphore, #tpu.memory_space<semaphore_mem>>)
        %dma_wait3A = arith.constant 0 : i32
        %dma_wait3A_79 = tpu.memref_slice %arg7[%multiple_of3A, %dma_wait3A] : memref<10000x16xf32, #tpu.memory_space<vmem_shared>> -> memref<200x16xf32, #tpu.memory_space<vmem_shared>>
        %dma_wait3A_80 = arith.constant 0 : i32
        %dma_wait3A_81 = tpu.memref_slice %arg7[%multiple_of3A, %dma_wait3A_80] : memref<10000x16xf32, #tpu.memory_space<vmem_shared>> -> memref<200x16xf32, #tpu.memory_space<vmem_shared>>
        tpu.wait_dma2 semaphore(%run_scoped3A : memref<!tpu.dma_semaphore, #tpu.memory_space<semaphore_mem>>) src(%arg6 : memref<200x16xf32, #tpu.memory_space<vmem>>) dst(%dma_wait3A_81 : memref<200x16xf32, #tpu.memory_space<vmem_shared>>)
        tpu.yield
      }) : () -> ()
    } else {
    }
    %add3A_28 = arith.constant 48 : i32
    %add3A_29 = arith.addi %arg1, %add3A_28 : i32
    %lt3A_30 = arith.constant 50 : i32
    %lt3A_31 = arith.cmpi slt, %add3A_29, %lt3A_30 : i32
    %convert_element_type3A_32 = arith.extui %lt3A_31 : i1 to i32
    %cond3A_33 = arith.constant 0 : i32
    %cond3A_34 = arith.cmpi ne, %convert_element_type3A_32, %cond3A_33 : i32
    scf.if %cond3A_34 {
      %mul3A_74 = arith.constant 200 : i32
      %mul3A_75 = arith.muli %add3A_29, %mul3A_74 : i32
      %multiple_of3A = tpu.assume_multiple %mul3A_75, 8 : i32
      "tpu.region"() ({
        %run_scoped3A = tpu.sem_alloc : memref<!tpu.dma_semaphore, #tpu.memory_space<semaphore_mem>>
        %dma_start3A = arith.constant 0 : i32
        %dma_start3A_76 = tpu.memref_slice %arg7[%multiple_of3A, %dma_start3A] : memref<10000x16xf32, #tpu.memory_space<vmem_shared>> -> memref<200x16xf32, #tpu.memory_space<vmem_shared>>
        %dma_start3A_77 = arith.constant 0 : i32
        %dma_start3A_78 = tpu.memref_slice %arg7[%multiple_of3A, %dma_start3A_77] : memref<10000x16xf32, #tpu.memory_space<vmem_shared>> -> memref<200x16xf32, #tpu.memory_space<vmem_shared>>
        tpu.enqueue_dma source(%arg6 : memref<200x16xf32, #tpu.memory_space<vmem>>) target(%dma_start3A_78 : memref<200x16xf32, #tpu.memory_space<vmem_shared>>) target_semaphore(%run_scoped3A : memref<!tpu.dma_semaphore, #tpu.memory_space<semaphore_mem>>)
        %dma_wait3A = arith.constant 0 : i32
        %dma_wait3A_79 = tpu.memref_slice %arg7[%multiple_of3A, %dma_wait3A] : memref<10000x16xf32, #tpu.memory_space<vmem_shared>> -> memref<200x16xf32, #tpu.memory_space<vmem_shared>>
        %dma_wait3A_80 = arith.constant 0 : i32
        %dma_wait3A_81 = tpu.memref_slice %arg7[%multiple_of3A, %dma_wait3A_80] : memref<10000x16xf32, #tpu.memory_space<vmem_shared>> -> memref<200x16xf32, #tpu.memory_space<vmem_shared>>
        tpu.wait_dma2 semaphore(%run_scoped3A : memref<!tpu.dma_semaphore, #tpu.memory_space<semaphore_mem>>) src(%arg6 : memref<200x16xf32, #tpu.memory_space<vmem>>) dst(%dma_wait3A_81 : memref<200x16xf32, #tpu.memory_space<vmem_shared>>)
        tpu.yield
      }) : () -> ()
    } else {
    }
    %barrier3A = arith.constant 0 : index
    tpu.barrier barrier_id(%barrier3A)
    %mul3A = arith.constant 16 : i32
    %mul3A_35 = arith.muli %arg0, %mul3A : i32
    %add3A_36 = arith.addi %mul3A_35, %arg1 : i32
    %mul3A_37 = arith.constant 10000 : i32
    %mul3A_38 = arith.muli %add3A_36, %mul3A_37 : i32
    %scan3A_39 = arith.constant 0 : i32
    %scan3A_40 = arith.constant 0 : i32
    %scan3A_41 = arith.constant 125 : i32
    %scan3A_42 = arith.addi %scan3A_40, %scan3A_41 : i32
    %scan3A_43 = arith.constant 1 : i32
    scf.for %scan3A_74 = %scan3A_40 to %scan3A_42 step %scan3A_43  : i32 {
      %mul3A_75 = arith.constant 80 : i32
      %mul3A_76 = arith.muli %scan3A_74, %mul3A_75 : i32
      %add3A_77 = arith.addi %mul3A_38, %mul3A_76 : i32
      "tpu.region"() ({
        %run_scoped3A = tpu.sem_alloc : memref<!tpu.dma_semaphore, #tpu.memory_space<semaphore_mem>>
        %dma_start3A = tpu.memref_slice %arg2[%add3A_77] : memref<320000xi32, #tpu.memory_space<hbm>> -> memref<80xi32, #tpu.memory_space<hbm>>
        %dma_start3A_78 = tpu.memref_slice %arg2[%add3A_77] : memref<320000xi32, #tpu.memory_space<hbm>> -> memref<80xi32, #tpu.memory_space<hbm>>
        tpu.enqueue_dma source(%dma_start3A_78 : memref<80xi32, #tpu.memory_space<hbm>>) target(%arg5 : memref<80xi32, #tpu.memory_space<vmem>>) target_semaphore(%run_scoped3A : memref<!tpu.dma_semaphore, #tpu.memory_space<semaphore_mem>>)
        %dma_wait3A = tpu.memref_slice %arg2[%add3A_77] : memref<320000xi32, #tpu.memory_space<hbm>> -> memref<80xi32, #tpu.memory_space<hbm>>
        %dma_wait3A_79 = tpu.memref_slice %arg2[%add3A_77] : memref<320000xi32, #tpu.memory_space<hbm>> -> memref<80xi32, #tpu.memory_space<hbm>>
        tpu.wait_dma2 semaphore(%run_scoped3A : memref<!tpu.dma_semaphore, #tpu.memory_space<semaphore_mem>>) src(%dma_wait3A_79 : memref<80xi32, #tpu.memory_space<hbm>>) dst(%arg5 : memref<80xi32, #tpu.memory_space<vmem>>)
        tpu.yield
      }) : () -> ()
      "tpu.region"() ({
        %run_scoped3A = tpu.sem_alloc : memref<!tpu.dma_semaphore, #tpu.memory_space<semaphore_mem>>
        %dma_start3A = arith.constant 0 : i32
        %dma_start3A_78 = arith.constant 0 : i32
        %dma_start3A_79 = tpu.memref_slice %arg7[%dma_start3A, %dma_start3A_78] : memref<10000x16xf32, #tpu.memory_space<vmem_shared>> -> memref<10000x16xf32, #tpu.memory_space<vmem_shared>>
        tpu.enqueue_indirect_dma source(%arg4 : memref<80x16xf32, #tpu.memory_space<vmem>>) target(%dma_start3A_79 : memref<10000x16xf32, #tpu.memory_space<vmem_shared>>) offsets(%arg5 : memref<80xi32, #tpu.memory_space<vmem>>) semaphore(%run_scoped3A : memref<!tpu.dma_semaphore, #tpu.memory_space<semaphore_mem>>) {add = true}
        %dma_wait3A = arith.constant 0 : i32
        %dma_wait3A_80 = arith.constant 0 : i32
        %dma_wait3A_81 = tpu.memref_slice %arg7[%dma_wait3A, %dma_wait3A_80] : memref<10000x16xf32, #tpu.memory_space<vmem_shared>> -> memref<10000x16xf32, #tpu.memory_space<vmem_shared>>
        tpu.wait_indirect_dma semaphore(%run_scoped3A : memref<!tpu.dma_semaphore, #tpu.memory_space<semaphore_mem>>) src(%arg4 : memref<80x16xf32, #tpu.memory_space<vmem>>) dst(%dma_wait3A_81 : memref<10000x16xf32, #tpu.memory_space<vmem_shared>>)
        tpu.yield
      }) : () -> ()
    }
    %scan3A_44 = arith.constant 125 : i32
    %barrier3A_45 = arith.constant 0 : index
    tpu.barrier barrier_id(%barrier3A_45)
    %add3A_46 = arith.constant 0 : i32
    %add3A_47 = arith.addi %arg1, %add3A_46 : i32
    %lt3A_48 = arith.constant 50 : i32
    %lt3A_49 = arith.cmpi slt, %add3A_47, %lt3A_48 : i32
    %convert_element_type3A_50 = arith.extui %lt3A_49 : i1 to i32
    %cond3A_51 = arith.constant 0 : i32
    %cond3A_52 = arith.cmpi ne, %convert_element_type3A_50, %cond3A_51 : i32
    scf.if %cond3A_52 {
      %mul3A_74 = arith.constant 200 : i32
      %mul3A_75 = arith.muli %add3A_47, %mul3A_74 : i32
      %multiple_of3A = tpu.assume_multiple %mul3A_75, 8 : i32
      "tpu.region"() ({
        %run_scoped3A = tpu.sem_alloc : memref<!tpu.dma_semaphore, #tpu.memory_space<semaphore_mem>>
        %dma_start3A = arith.constant 0 : i32
        %dma_start3A_76 = tpu.memref_slice %arg7[%multiple_of3A, %dma_start3A] : memref<10000x16xf32, #tpu.memory_space<vmem_shared>> -> memref<200x16xf32, #tpu.memory_space<vmem_shared>>
        %dma_start3A_77 = arith.constant 0 : i32
        %dma_start3A_78 = tpu.memref_slice %arg7[%multiple_of3A, %dma_start3A_77] : memref<10000x16xf32, #tpu.memory_space<vmem_shared>> -> memref<200x16xf32, #tpu.memory_space<vmem_shared>>
        tpu.enqueue_dma source(%dma_start3A_78 : memref<200x16xf32, #tpu.memory_space<vmem_shared>>) target(%arg6 : memref<200x16xf32, #tpu.memory_space<vmem>>) target_semaphore(%run_scoped3A : memref<!tpu.dma_semaphore, #tpu.memory_space<semaphore_mem>>)
        %dma_wait3A = arith.constant 0 : i32
        %dma_wait3A_79 = tpu.memref_slice %arg7[%multiple_of3A, %dma_wait3A] : memref<10000x16xf32, #tpu.memory_space<vmem_shared>> -> memref<200x16xf32, #tpu.memory_space<vmem_shared>>
        %dma_wait3A_80 = arith.constant 0 : i32
        %dma_wait3A_81 = tpu.memref_slice %arg7[%multiple_of3A, %dma_wait3A_80] : memref<10000x16xf32, #tpu.memory_space<vmem_shared>> -> memref<200x16xf32, #tpu.memory_space<vmem_shared>>
        tpu.wait_dma2 semaphore(%run_scoped3A : memref<!tpu.dma_semaphore, #tpu.memory_space<semaphore_mem>>) src(%dma_wait3A_81 : memref<200x16xf32, #tpu.memory_space<vmem_shared>>) dst(%arg6 : memref<200x16xf32, #tpu.memory_space<vmem>>)
        tpu.yield
      }) : () -> ()
      "tpu.region"() ({
        %run_scoped3A = tpu.sem_alloc : memref<!tpu.dma_semaphore, #tpu.memory_space<semaphore_mem>>
        %dma_start3A = arith.constant 0 : i32
        %dma_start3A_76 = tpu.memref_slice %arg3[%arg0, %multiple_of3A, %dma_start3A] : memref<2x10000x16xf32, #tpu.memory_space<hbm>> -> memref<1x200x16xf32, #tpu.memory_space<hbm>>
        %dma_start3A_77 = tpu.memref_squeeze %dma_start3A_76 : memref<1x200x16xf32, #tpu.memory_space<hbm>> -> memref<200x16xf32, #tpu.memory_space<hbm>>
        %dma_start3A_78 = arith.constant 0 : i32
        %dma_start3A_79 = tpu.memref_slice %arg3[%arg0, %multiple_of3A, %dma_start3A_78] : memref<2x10000x16xf32, #tpu.memory_space<hbm>> -> memref<1x200x16xf32, #tpu.memory_space<hbm>>
        %dma_start3A_80 = tpu.memref_squeeze %dma_start3A_79 : memref<1x200x16xf32, #tpu.memory_space<hbm>> -> memref<200x16xf32, #tpu.memory_space<hbm>>
        tpu.enqueue_dma source(%arg6 : memref<200x16xf32, #tpu.memory_space<vmem>>) target(%dma_start3A_80 : memref<200x16xf32, #tpu.memory_space<hbm>>) target_semaphore(%run_scoped3A : memref<!tpu.dma_semaphore, #tpu.memory_space<semaphore_mem>>)
        %dma_wait3A = arith.constant 0 : i32
        %dma_wait3A_81 = tpu.memref_slice %arg3[%arg0, %multiple_of3A, %dma_wait3A] : memref<2x10000x16xf32, #tpu.memory_space<hbm>> -> memref<1x200x16xf32, #tpu.memory_space<hbm>>
        %dma_wait3A_82 = tpu.memref_squeeze %dma_wait3A_81 : memref<1x200x16xf32, #tpu.memory_space<hbm>> -> memref<200x16xf32, #tpu.memory_space<hbm>>
        %dma_wait3A_83 = arith.constant 0 : i32
        %dma_wait3A_84 = tpu.memref_slice %arg3[%arg0, %multiple_of3A, %dma_wait3A_83] : memref<2x10000x16xf32, #tpu.memory_space<hbm>> -> memref<1x200x16xf32, #tpu.memory_space<hbm>>
        %dma_wait3A_85 = tpu.memref_squeeze %dma_wait3A_84 : memref<1x200x16xf32, #tpu.memory_space<hbm>> -> memref<200x16xf32, #tpu.memory_space<hbm>>
        tpu.wait_dma2 semaphore(%run_scoped3A : memref<!tpu.dma_semaphore, #tpu.memory_space<semaphore_mem>>) src(%arg6 : memref<200x16xf32, #tpu.memory_space<vmem>>) dst(%dma_wait3A_85 : memref<200x16xf32, #tpu.memory_space<hbm>>)
        tpu.yield
      }) : () -> ()
    } else {
    }
    %add3A_53 = arith.constant 16 : i32
    %add3A_54 = arith.addi %arg1, %add3A_53 : i32
    %lt3A_55 = arith.constant 50 : i32
    %lt3A_56 = arith.cmpi slt, %add3A_54, %lt3A_55 : i32
    %convert_element_type3A_57 = arith.extui %lt3A_56 : i1 to i32
    %cond3A_58 = arith.constant 0 : i32
    %cond3A_59 = arith.cmpi ne, %convert_element_type3A_57, %cond3A_58 : i32
    scf.if %cond3A_59 {
      %mul3A_74 = arith.constant 200 : i32
      %mul3A_75 = arith.muli %add3A_54, %mul3A_74 : i32
      %multiple_of3A = tpu.assume_multiple %mul3A_75, 8 : i32
      "tpu.region"() ({
        %run_scoped3A = tpu.sem_alloc : memref<!tpu.dma_semaphore, #tpu.memory_space<semaphore_mem>>
        %dma_start3A = arith.constant 0 : i32
        %dma_start3A_76 = tpu.memref_slice %arg7[%multiple_of3A, %dma_start3A] : memref<10000x16xf32, #tpu.memory_space<vmem_shared>> -> memref<200x16xf32, #tpu.memory_space<vmem_shared>>
        %dma_start3A_77 = arith.constant 0 : i32
        %dma_start3A_78 = tpu.memref_slice %arg7[%multiple_of3A, %dma_start3A_77] : memref<10000x16xf32, #tpu.memory_space<vmem_shared>> -> memref<200x16xf32, #tpu.memory_space<vmem_shared>>
        tpu.enqueue_dma source(%dma_start3A_78 : memref<200x16xf32, #tpu.memory_space<vmem_shared>>) target(%arg6 : memref<200x16xf32, #tpu.memory_space<vmem>>) target_semaphore(%run_scoped3A : memref<!tpu.dma_semaphore, #tpu.memory_space<semaphore_mem>>)
        %dma_wait3A = arith.constant 0 : i32
        %dma_wait3A_79 = tpu.memref_slice %arg7[%multiple_of3A, %dma_wait3A] : memref<10000x16xf32, #tpu.memory_space<vmem_shared>> -> memref<200x16xf32, #tpu.memory_space<vmem_shared>>
        %dma_wait3A_80 = arith.constant 0 : i32
        %dma_wait3A_81 = tpu.memref_slice %arg7[%multiple_of3A, %dma_wait3A_80] : memref<10000x16xf32, #tpu.memory_space<vmem_shared>> -> memref<200x16xf32, #tpu.memory_space<vmem_shared>>
        tpu.wait_dma2 semaphore(%run_scoped3A : memref<!tpu.dma_semaphore, #tpu.memory_space<semaphore_mem>>) src(%dma_wait3A_81 : memref<200x16xf32, #tpu.memory_space<vmem_shared>>) dst(%arg6 : memref<200x16xf32, #tpu.memory_space<vmem>>)
        tpu.yield
      }) : () -> ()
      "tpu.region"() ({
        %run_scoped3A = tpu.sem_alloc : memref<!tpu.dma_semaphore, #tpu.memory_space<semaphore_mem>>
        %dma_start3A = arith.constant 0 : i32
        %dma_start3A_76 = tpu.memref_slice %arg3[%arg0, %multiple_of3A, %dma_start3A] : memref<2x10000x16xf32, #tpu.memory_space<hbm>> -> memref<1x200x16xf32, #tpu.memory_space<hbm>>
        %dma_start3A_77 = tpu.memref_squeeze %dma_start3A_76 : memref<1x200x16xf32, #tpu.memory_space<hbm>> -> memref<200x16xf32, #tpu.memory_space<hbm>>
        %dma_start3A_78 = arith.constant 0 : i32
        %dma_start3A_79 = tpu.memref_slice %arg3[%arg0, %multiple_of3A, %dma_start3A_78] : memref<2x10000x16xf32, #tpu.memory_space<hbm>> -> memref<1x200x16xf32, #tpu.memory_space<hbm>>
        %dma_start3A_80 = tpu.memref_squeeze %dma_start3A_79 : memref<1x200x16xf32, #tpu.memory_space<hbm>> -> memref<200x16xf32, #tpu.memory_space<hbm>>
        tpu.enqueue_dma source(%arg6 : memref<200x16xf32, #tpu.memory_space<vmem>>) target(%dma_start3A_80 : memref<200x16xf32, #tpu.memory_space<hbm>>) target_semaphore(%run_scoped3A : memref<!tpu.dma_semaphore, #tpu.memory_space<semaphore_mem>>)
        %dma_wait3A = arith.constant 0 : i32
        %dma_wait3A_81 = tpu.memref_slice %arg3[%arg0, %multiple_of3A, %dma_wait3A] : memref<2x10000x16xf32, #tpu.memory_space<hbm>> -> memref<1x200x16xf32, #tpu.memory_space<hbm>>
        %dma_wait3A_82 = tpu.memref_squeeze %dma_wait3A_81 : memref<1x200x16xf32, #tpu.memory_space<hbm>> -> memref<200x16xf32, #tpu.memory_space<hbm>>
        %dma_wait3A_83 = arith.constant 0 : i32
        %dma_wait3A_84 = tpu.memref_slice %arg3[%arg0, %multiple_of3A, %dma_wait3A_83] : memref<2x10000x16xf32, #tpu.memory_space<hbm>> -> memref<1x200x16xf32, #tpu.memory_space<hbm>>
        %dma_wait3A_85 = tpu.memref_squeeze %dma_wait3A_84 : memref<1x200x16xf32, #tpu.memory_space<hbm>> -> memref<200x16xf32, #tpu.memory_space<hbm>>
        tpu.wait_dma2 semaphore(%run_scoped3A : memref<!tpu.dma_semaphore, #tpu.memory_space<semaphore_mem>>) src(%arg6 : memref<200x16xf32, #tpu.memory_space<vmem>>) dst(%dma_wait3A_85 : memref<200x16xf32, #tpu.memory_space<hbm>>)
        tpu.yield
      }) : () -> ()
    } else {
    }
    %add3A_60 = arith.constant 32 : i32
    %add3A_61 = arith.addi %arg1, %add3A_60 : i32
    %lt3A_62 = arith.constant 50 : i32
    %lt3A_63 = arith.cmpi slt, %add3A_61, %lt3A_62 : i32
    %convert_element_type3A_64 = arith.extui %lt3A_63 : i1 to i32
    %cond3A_65 = arith.constant 0 : i32
    %cond3A_66 = arith.cmpi ne, %convert_element_type3A_64, %cond3A_65 : i32
    scf.if %cond3A_66 {
      %mul3A_74 = arith.constant 200 : i32
      %mul3A_75 = arith.muli %add3A_61, %mul3A_74 : i32
      %multiple_of3A = tpu.assume_multiple %mul3A_75, 8 : i32
      "tpu.region"() ({
        %run_scoped3A = tpu.sem_alloc : memref<!tpu.dma_semaphore, #tpu.memory_space<semaphore_mem>>
        %dma_start3A = arith.constant 0 : i32
        %dma_start3A_76 = tpu.memref_slice %arg7[%multiple_of3A, %dma_start3A] : memref<10000x16xf32, #tpu.memory_space<vmem_shared>> -> memref<200x16xf32, #tpu.memory_space<vmem_shared>>
        %dma_start3A_77 = arith.constant 0 : i32
        %dma_start3A_78 = tpu.memref_slice %arg7[%multiple_of3A, %dma_start3A_77] : memref<10000x16xf32, #tpu.memory_space<vmem_shared>> -> memref<200x16xf32, #tpu.memory_space<vmem_shared>>
        tpu.enqueue_dma source(%dma_start3A_78 : memref<200x16xf32, #tpu.memory_space<vmem_shared>>) target(%arg6 : memref<200x16xf32, #tpu.memory_space<vmem>>) target_semaphore(%run_scoped3A : memref<!tpu.dma_semaphore, #tpu.memory_space<semaphore_mem>>)
        %dma_wait3A = arith.constant 0 : i32
        %dma_wait3A_79 = tpu.memref_slice %arg7[%multiple_of3A, %dma_wait3A] : memref<10000x16xf32, #tpu.memory_space<vmem_shared>> -> memref<200x16xf32, #tpu.memory_space<vmem_shared>>
        %dma_wait3A_80 = arith.constant 0 : i32
        %dma_wait3A_81 = tpu.memref_slice %arg7[%multiple_of3A, %dma_wait3A_80] : memref<10000x16xf32, #tpu.memory_space<vmem_shared>> -> memref<200x16xf32, #tpu.memory_space<vmem_shared>>
        tpu.wait_dma2 semaphore(%run_scoped3A : memref<!tpu.dma_semaphore, #tpu.memory_space<semaphore_mem>>) src(%dma_wait3A_81 : memref<200x16xf32, #tpu.memory_space<vmem_shared>>) dst(%arg6 : memref<200x16xf32, #tpu.memory_space<vmem>>)
        tpu.yield
      }) : () -> ()
      "tpu.region"() ({
        %run_scoped3A = tpu.sem_alloc : memref<!tpu.dma_semaphore, #tpu.memory_space<semaphore_mem>>
        %dma_start3A = arith.constant 0 : i32
        %dma_start3A_76 = tpu.memref_slice %arg3[%arg0, %multiple_of3A, %dma_start3A] : memref<2x10000x16xf32, #tpu.memory_space<hbm>> -> memref<1x200x16xf32, #tpu.memory_space<hbm>>
        %dma_start3A_77 = tpu.memref_squeeze %dma_start3A_76 : memref<1x200x16xf32, #tpu.memory_space<hbm>> -> memref<200x16xf32, #tpu.memory_space<hbm>>
        %dma_start3A_78 = arith.constant 0 : i32
        %dma_start3A_79 = tpu.memref_slice %arg3[%arg0, %multiple_of3A, %dma_start3A_78] : memref<2x10000x16xf32, #tpu.memory_space<hbm>> -> memref<1x200x16xf32, #tpu.memory_space<hbm>>
        %dma_start3A_80 = tpu.memref_squeeze %dma_start3A_79 : memref<1x200x16xf32, #tpu.memory_space<hbm>> -> memref<200x16xf32, #tpu.memory_space<hbm>>
        tpu.enqueue_dma source(%arg6 : memref<200x16xf32, #tpu.memory_space<vmem>>) target(%dma_start3A_80 : memref<200x16xf32, #tpu.memory_space<hbm>>) target_semaphore(%run_scoped3A : memref<!tpu.dma_semaphore, #tpu.memory_space<semaphore_mem>>)
        %dma_wait3A = arith.constant 0 : i32
        %dma_wait3A_81 = tpu.memref_slice %arg3[%arg0, %multiple_of3A, %dma_wait3A] : memref<2x10000x16xf32, #tpu.memory_space<hbm>> -> memref<1x200x16xf32, #tpu.memory_space<hbm>>
        %dma_wait3A_82 = tpu.memref_squeeze %dma_wait3A_81 : memref<1x200x16xf32, #tpu.memory_space<hbm>> -> memref<200x16xf32, #tpu.memory_space<hbm>>
        %dma_wait3A_83 = arith.constant 0 : i32
        %dma_wait3A_84 = tpu.memref_slice %arg3[%arg0, %multiple_of3A, %dma_wait3A_83] : memref<2x10000x16xf32, #tpu.memory_space<hbm>> -> memref<1x200x16xf32, #tpu.memory_space<hbm>>
        %dma_wait3A_85 = tpu.memref_squeeze %dma_wait3A_84 : memref<1x200x16xf32, #tpu.memory_space<hbm>> -> memref<200x16xf32, #tpu.memory_space<hbm>>
        tpu.wait_dma2 semaphore(%run_scoped3A : memref<!tpu.dma_semaphore, #tpu.memory_space<semaphore_mem>>) src(%arg6 : memref<200x16xf32, #tpu.memory_space<vmem>>) dst(%dma_wait3A_85 : memref<200x16xf32, #tpu.memory_space<hbm>>)
        tpu.yield
      }) : () -> ()
    } else {
    }
    %add3A_67 = arith.constant 48 : i32
    %add3A_68 = arith.addi %arg1, %add3A_67 : i32
    %lt3A_69 = arith.constant 50 : i32
    %lt3A_70 = arith.cmpi slt, %add3A_68, %lt3A_69 : i32
    %convert_element_type3A_71 = arith.extui %lt3A_70 : i1 to i32
    %cond3A_72 = arith.constant 0 : i32
    %cond3A_73 = arith.cmpi ne, %convert_element_type3A_71, %cond3A_72 : i32
    scf.if %cond3A_73 {
      %mul3A_74 = arith.constant 200 : i32
      %mul3A_75 = arith.muli %add3A_68, %mul3A_74 : i32
      %multiple_of3A = tpu.assume_multiple %mul3A_75, 8 : i32
      "tpu.region"() ({
        %run_scoped3A = tpu.sem_alloc : memref<!tpu.dma_semaphore, #tpu.memory_space<semaphore_mem>>
        %dma_start3A = arith.constant 0 : i32
        %dma_start3A_76 = tpu.memref_slice %arg7[%multiple_of3A, %dma_start3A] : memref<10000x16xf32, #tpu.memory_space<vmem_shared>> -> memref<200x16xf32, #tpu.memory_space<vmem_shared>>
        %dma_start3A_77 = arith.constant 0 : i32
        %dma_start3A_78 = tpu.memref_slice %arg7[%multiple_of3A, %dma_start3A_77] : memref<10000x16xf32, #tpu.memory_space<vmem_shared>> -> memref<200x16xf32, #tpu.memory_space<vmem_shared>>
        tpu.enqueue_dma source(%dma_start3A_78 : memref<200x16xf32, #tpu.memory_space<vmem_shared>>) target(%arg6 : memref<200x16xf32, #tpu.memory_space<vmem>>) target_semaphore(%run_scoped3A : memref<!tpu.dma_semaphore, #tpu.memory_space<semaphore_mem>>)
        %dma_wait3A = arith.constant 0 : i32
        %dma_wait3A_79 = tpu.memref_slice %arg7[%multiple_of3A, %dma_wait3A] : memref<10000x16xf32, #tpu.memory_space<vmem_shared>> -> memref<200x16xf32, #tpu.memory_space<vmem_shared>>
        %dma_wait3A_80 = arith.constant 0 : i32
        %dma_wait3A_81 = tpu.memref_slice %arg7[%multiple_of3A, %dma_wait3A_80] : memref<10000x16xf32, #tpu.memory_space<vmem_shared>> -> memref<200x16xf32, #tpu.memory_space<vmem_shared>>
        tpu.wait_dma2 semaphore(%run_scoped3A : memref<!tpu.dma_semaphore, #tpu.memory_space<semaphore_mem>>) src(%dma_wait3A_81 : memref<200x16xf32, #tpu.memory_space<vmem_shared>>) dst(%arg6 : memref<200x16xf32, #tpu.memory_space<vmem>>)
        tpu.yield
      }) : () -> ()
      "tpu.region"() ({
        %run_scoped3A = tpu.sem_alloc : memref<!tpu.dma_semaphore, #tpu.memory_space<semaphore_mem>>
        %dma_start3A = arith.constant 0 : i32
        %dma_start3A_76 = tpu.memref_slice %arg3[%arg0, %multiple_of3A, %dma_start3A] : memref<2x10000x16xf32, #tpu.memory_space<hbm>> -> memref<1x200x16xf32, #tpu.memory_space<hbm>>
        %dma_start3A_77 = tpu.memref_squeeze %dma_start3A_76 : memref<1x200x16xf32, #tpu.memory_space<hbm>> -> memref<200x16xf32, #tpu.memory_space<hbm>>
        %dma_start3A_78 = arith.constant 0 : i32
        %dma_start3A_79 = tpu.memref_slice %arg3[%arg0, %multiple_of3A, %dma_start3A_78] : memref<2x10000x16xf32, #tpu.memory_space<hbm>> -> memref<1x200x16xf32, #tpu.memory_space<hbm>>
        %dma_start3A_80 = tpu.memref_squeeze %dma_start3A_79 : memref<1x200x16xf32, #tpu.memory_space<hbm>> -> memref<200x16xf32, #tpu.memory_space<hbm>>
        tpu.enqueue_dma source(%arg6 : memref<200x16xf32, #tpu.memory_space<vmem>>) target(%dma_start3A_80 : memref<200x16xf32, #tpu.memory_space<hbm>>) target_semaphore(%run_scoped3A : memref<!tpu.dma_semaphore, #tpu.memory_space<semaphore_mem>>)
        %dma_wait3A = arith.constant 0 : i32
        %dma_wait3A_81 = tpu.memref_slice %arg3[%arg0, %multiple_of3A, %dma_wait3A] : memref<2x10000x16xf32, #tpu.memory_space<hbm>> -> memref<1x200x16xf32, #tpu.memory_space<hbm>>
        %dma_wait3A_82 = tpu.memref_squeeze %dma_wait3A_81 : memref<1x200x16xf32, #tpu.memory_space<hbm>> -> memref<200x16xf32, #tpu.memory_space<hbm>>
        %dma_wait3A_83 = arith.constant 0 : i32
        %dma_wait3A_84 = tpu.memref_slice %arg3[%arg0, %multiple_of3A, %dma_wait3A_83] : memref<2x10000x16xf32, #tpu.memory_space<hbm>> -> memref<1x200x16xf32, #tpu.memory_space<hbm>>
        %dma_wait3A_85 = tpu.memref_squeeze %dma_wait3A_84 : memref<1x200x16xf32, #tpu.memory_space<hbm>> -> memref<200x16xf32, #tpu.memory_space<hbm>>
        tpu.wait_dma2 semaphore(%run_scoped3A : memref<!tpu.dma_semaphore, #tpu.memory_space<semaphore_mem>>) src(%arg6 : memref<200x16xf32, #tpu.memory_space<vmem>>) dst(%dma_wait3A_85 : memref<200x16xf32, #tpu.memory_space<hbm>>)
        tpu.yield
      }) : () -> ()
    } else {
    }
    return
  }
}

#map = affine_map<(d0, d1) -> (0, 0)>
#map1 = affine_map<(d0, d1) -> (0)>
#map2 = affine_map<(d0, d1) -> (0, 0, 0)>
module attributes {stable_mosaic.version = 14 : i64} {
  func.func @body(%arg0: i32, %arg1: i32, %arg2: memref<10000x128xf32, #tpu.memory_space<hbm>>, %arg3: memref<320000xi32, #tpu.memory_space<hbm>>, %arg4: memref<320000xi32, #tpu.memory_space<hbm>>, %arg5: memref<2x10000x128xf32, #tpu.memory_space<hbm>>, %arg6: memref<80xi32, #tpu.memory_space<vmem>>, %arg7: memref<80xi32, #tpu.memory_space<vmem>>, %arg8: memref<80x128xf32, #tpu.memory_space<vmem>>, %arg9: memref<200x128xf32, #tpu.memory_space<vmem>>, %arg10: memref<10000x128xf32, #tpu.memory_space<vmem_shared>>, %arg11: memref<!tpu.dma_semaphore, #tpu.memory_space<semaphore_mem>>) attributes {dimension_semantics = [#tpu.dimension_semantics<core_parallel>, #tpu.dimension_semantics<subcore_parallel>], iteration_bounds = array<i64: 2, 16>, scalar_prefetch = 0 : i64, scratch_operands = 6 : i64, tpu.core_type = #tpu.core_type<sc_vector_subcore>, window_params = [{transform_indices = #map}, {transform_indices = #map1}, {transform_indices = #map1}, {transform_indices = #map2}]} {
    %scan3A = arith.constant 0 : i32
    %scan3A_0 = arith.constant 0 : i32
    %scan3A_1 = arith.constant 200 : i32
    %scan3A_2 = arith.addi %scan3A_0, %scan3A_1 : i32
    %scan3A_3 = arith.constant 1 : i32
    scf.for %scan3A_68 = %scan3A_0 to %scan3A_2 step %scan3A_3  : i32 {
      %broadcast_in_dim3A = arith.constant 0.000000e+00 : f32
      %broadcast_in_dim3A_69 = vector.broadcast %broadcast_in_dim3A : f32 to vector<16xf32>
      %swap3A = arith.index_cast %scan3A_68 : i32 to index
      %swap3A_70 = arith.constant 0 : index
      %swap3A_71 = tpu.vector_load %arg9[%swap3A, %swap3A_70] {strides = array<i32>} : memref<200x128xf32, #tpu.memory_space<vmem>>, vector<1x16xf32>,
      %swap3A_72 = vector.shape_cast %swap3A_71 : vector<1x16xf32> to vector<16xf32>
      %swap3A_73 = vector.shape_cast %broadcast_in_dim3A_69 : vector<16xf32> to vector<1x16xf32>
      tpu.vector_store %arg9[%swap3A, %swap3A_70], %swap3A_73 {strides = array<i32>} : memref<200x128xf32, #tpu.memory_space<vmem>>, vector<1x16xf32>,
      %broadcast_in_dim3A_74 = arith.constant 0.000000e+00 : f32
      %broadcast_in_dim3A_75 = vector.broadcast %broadcast_in_dim3A_74 : f32 to vector<16xf32>
      %swap3A_76 = arith.index_cast %scan3A_68 : i32 to index
      %swap3A_77 = arith.constant 16 : index
      %swap3A_78 = tpu.vector_load %arg9[%swap3A_76, %swap3A_77] {strides = array<i32>} : memref<200x128xf32, #tpu.memory_space<vmem>>, vector<1x16xf32>,
      %swap3A_79 = vector.shape_cast %swap3A_78 : vector<1x16xf32> to vector<16xf32>
      %swap3A_80 = vector.shape_cast %broadcast_in_dim3A_75 : vector<16xf32> to vector<1x16xf32>
      tpu.vector_store %arg9[%swap3A_76, %swap3A_77], %swap3A_80 {strides = array<i32>} : memref<200x128xf32, #tpu.memory_space<vmem>>, vector<1x16xf32>,
      %broadcast_in_dim3A_81 = arith.constant 0.000000e+00 : f32
      %broadcast_in_dim3A_82 = vector.broadcast %broadcast_in_dim3A_81 : f32 to vector<16xf32>
      %swap3A_83 = arith.index_cast %scan3A_68 : i32 to index
      %swap3A_84 = arith.constant 32 : index
      %swap3A_85 = tpu.vector_load %arg9[%swap3A_83, %swap3A_84] {strides = array<i32>} : memref<200x128xf32, #tpu.memory_space<vmem>>, vector<1x16xf32>,
      %swap3A_86 = vector.shape_cast %swap3A_85 : vector<1x16xf32> to vector<16xf32>
      %swap3A_87 = vector.shape_cast %broadcast_in_dim3A_82 : vector<16xf32> to vector<1x16xf32>
      tpu.vector_store %arg9[%swap3A_83, %swap3A_84], %swap3A_87 {strides = array<i32>} : memref<200x128xf32, #tpu.memory_space<vmem>>, vector<1x16xf32>,
      %broadcast_in_dim3A_88 = arith.constant 0.000000e+00 : f32
      %broadcast_in_dim3A_89 = vector.broadcast %broadcast_in_dim3A_88 : f32 to vector<16xf32>
      %swap3A_90 = arith.index_cast %scan3A_68 : i32 to index
      %swap3A_91 = arith.constant 48 : index
      %swap3A_92 = tpu.vector_load %arg9[%swap3A_90, %swap3A_91] {strides = array<i32>} : memref<200x128xf32, #tpu.memory_space<vmem>>, vector<1x16xf32>,
      %swap3A_93 = vector.shape_cast %swap3A_92 : vector<1x16xf32> to vector<16xf32>
      %swap3A_94 = vector.shape_cast %broadcast_in_dim3A_89 : vector<16xf32> to vector<1x16xf32>
      tpu.vector_store %arg9[%swap3A_90, %swap3A_91], %swap3A_94 {strides = array<i32>} : memref<200x128xf32, #tpu.memory_space<vmem>>, vector<1x16xf32>,
      %broadcast_in_dim3A_95 = arith.constant 0.000000e+00 : f32
      %broadcast_in_dim3A_96 = vector.broadcast %broadcast_in_dim3A_95 : f32 to vector<16xf32>
      %swap3A_97 = arith.index_cast %scan3A_68 : i32 to index
      %swap3A_98 = arith.constant 64 : index
      %swap3A_99 = tpu.vector_load %arg9[%swap3A_97, %swap3A_98] {strides = array<i32>} : memref<200x128xf32, #tpu.memory_space<vmem>>, vector<1x16xf32>,
      %swap3A_100 = vector.shape_cast %swap3A_99 : vector<1x16xf32> to vector<16xf32>
      %swap3A_101 = vector.shape_cast %broadcast_in_dim3A_96 : vector<16xf32> to vector<1x16xf32>
      tpu.vector_store %arg9[%swap3A_97, %swap3A_98], %swap3A_101 {strides = array<i32>} : memref<200x128xf32, #tpu.memory_space<vmem>>, vector<1x16xf32>,
      %broadcast_in_dim3A_102 = arith.constant 0.000000e+00 : f32
      %broadcast_in_dim3A_103 = vector.broadcast %broadcast_in_dim3A_102 : f32 to vector<16xf32>
      %swap3A_104 = arith.index_cast %scan3A_68 : i32 to index
      %swap3A_105 = arith.constant 80 : index
      %swap3A_106 = tpu.vector_load %arg9[%swap3A_104, %swap3A_105] {strides = array<i32>} : memref<200x128xf32, #tpu.memory_space<vmem>>, vector<1x16xf32>,
      %swap3A_107 = vector.shape_cast %swap3A_106 : vector<1x16xf32> to vector<16xf32>
      %swap3A_108 = vector.shape_cast %broadcast_in_dim3A_103 : vector<16xf32> to vector<1x16xf32>
      tpu.vector_store %arg9[%swap3A_104, %swap3A_105], %swap3A_108 {strides = array<i32>} : memref<200x128xf32, #tpu.memory_space<vmem>>, vector<1x16xf32>,
      %broadcast_in_dim3A_109 = arith.constant 0.000000e+00 : f32
      %broadcast_in_dim3A_110 = vector.broadcast %broadcast_in_dim3A_109 : f32 to vector<16xf32>
      %swap3A_111 = arith.index_cast %scan3A_68 : i32 to index
      %swap3A_112 = arith.constant 96 : index
      %swap3A_113 = tpu.vector_load %arg9[%swap3A_111, %swap3A_112] {strides = array<i32>} : memref<200x128xf32, #tpu.memory_space<vmem>>, vector<1x16xf32>,
      %swap3A_114 = vector.shape_cast %swap3A_113 : vector<1x16xf32> to vector<16xf32>
      %swap3A_115 = vector.shape_cast %broadcast_in_dim3A_110 : vector<16xf32> to vector<1x16xf32>
      tpu.vector_store %arg9[%swap3A_111, %swap3A_112], %swap3A_115 {strides = array<i32>} : memref<200x128xf32, #tpu.memory_space<vmem>>, vector<1x16xf32>,
      %broadcast_in_dim3A_116 = arith.constant 0.000000e+00 : f32
      %broadcast_in_dim3A_117 = vector.broadcast %broadcast_in_dim3A_116 : f32 to vector<16xf32>
      %swap3A_118 = arith.index_cast %scan3A_68 : i32 to index
      %swap3A_119 = arith.constant 112 : index
      %swap3A_120 = tpu.vector_load %arg9[%swap3A_118, %swap3A_119] {strides = array<i32>} : memref<200x128xf32, #tpu.memory_space<vmem>>, vector<1x16xf32>,
      %swap3A_121 = vector.shape_cast %swap3A_120 : vector<1x16xf32> to vector<16xf32>
      %swap3A_122 = vector.shape_cast %broadcast_in_dim3A_117 : vector<16xf32> to vector<1x16xf32>
      tpu.vector_store %arg9[%swap3A_118, %swap3A_119], %swap3A_122 {strides = array<i32>} : memref<200x128xf32, #tpu.memory_space<vmem>>, vector<1x16xf32>,
    }
    %scan3A_4 = arith.constant 200 : i32
    %add3A = arith.constant 0 : i32
    %add3A_5 = arith.addi %arg1, %add3A : i32
    %lt3A = arith.constant 50 : i32
    %lt3A_6 = arith.cmpi slt, %add3A_5, %lt3A : i32
    %convert_element_type3A = arith.extui %lt3A_6 : i1 to i32
    %cond3A = arith.constant 0 : i32
    %cond3A_7 = arith.cmpi ne, %convert_element_type3A, %cond3A : i32
    scf.if %cond3A_7 {
      %mul3A_68 = arith.constant 200 : i32
      %mul3A_69 = arith.muli %add3A_5, %mul3A_68 : i32
      %multiple_of3A = tpu.assume_multiple %mul3A_69, 8 : i32
      "tpu.region"() ({
        %run_scoped3A = tpu.sem_alloc : memref<!tpu.dma_semaphore, #tpu.memory_space<semaphore_mem>>
        %dma_start3A = arith.constant 0 : i32
        %dma_start3A_70 = tpu.memref_slice %arg10[%multiple_of3A, %dma_start3A] : memref<10000x128xf32, #tpu.memory_space<vmem_shared>> -> memref<200x128xf32, #tpu.memory_space<vmem_shared>>
        %dma_start3A_71 = arith.constant 0 : i32
        %dma_start3A_72 = tpu.memref_slice %arg10[%multiple_of3A, %dma_start3A_71] : memref<10000x128xf32, #tpu.memory_space<vmem_shared>> -> memref<200x128xf32, #tpu.memory_space<vmem_shared>>
        tpu.enqueue_dma source(%arg9 : memref<200x128xf32, #tpu.memory_space<vmem>>) target(%dma_start3A_72 : memref<200x128xf32, #tpu.memory_space<vmem_shared>>) target_semaphore(%run_scoped3A : memref<!tpu.dma_semaphore, #tpu.memory_space<semaphore_mem>>)
        %dma_wait3A = arith.constant 0 : i32
        %dma_wait3A_73 = tpu.memref_slice %arg10[%multiple_of3A, %dma_wait3A] : memref<10000x128xf32, #tpu.memory_space<vmem_shared>> -> memref<200x128xf32, #tpu.memory_space<vmem_shared>>
        %dma_wait3A_74 = arith.constant 0 : i32
        %dma_wait3A_75 = tpu.memref_slice %arg10[%multiple_of3A, %dma_wait3A_74] : memref<10000x128xf32, #tpu.memory_space<vmem_shared>> -> memref<200x128xf32, #tpu.memory_space<vmem_shared>>
        tpu.wait_dma2 semaphore(%run_scoped3A : memref<!tpu.dma_semaphore, #tpu.memory_space<semaphore_mem>>) src(%arg9 : memref<200x128xf32, #tpu.memory_space<vmem>>) dst(%dma_wait3A_75 : memref<200x128xf32, #tpu.memory_space<vmem_shared>>)
        tpu.yield
      }) : () -> ()
    } else {
    }
    %add3A_8 = arith.constant 16 : i32
    %add3A_9 = arith.addi %arg1, %add3A_8 : i32
    %lt3A_10 = arith.constant 50 : i32
    %lt3A_11 = arith.cmpi slt, %add3A_9, %lt3A_10 : i32
    %convert_element_type3A_12 = arith.extui %lt3A_11 : i1 to i32
    %cond3A_13 = arith.constant 0 : i32
    %cond3A_14 = arith.cmpi ne, %convert_element_type3A_12, %cond3A_13 : i32
    scf.if %cond3A_14 {
      %mul3A_68 = arith.constant 200 : i32
      %mul3A_69 = arith.muli %add3A_9, %mul3A_68 : i32
      %multiple_of3A = tpu.assume_multiple %mul3A_69, 8 : i32
      "tpu.region"() ({
        %run_scoped3A = tpu.sem_alloc : memref<!tpu.dma_semaphore, #tpu.memory_space<semaphore_mem>>
        %dma_start3A = arith.constant 0 : i32
        %dma_start3A_70 = tpu.memref_slice %arg10[%multiple_of3A, %dma_start3A] : memref<10000x128xf32, #tpu.memory_space<vmem_shared>> -> memref<200x128xf32, #tpu.memory_space<vmem_shared>>
        %dma_start3A_71 = arith.constant 0 : i32
        %dma_start3A_72 = tpu.memref_slice %arg10[%multiple_of3A, %dma_start3A_71] : memref<10000x128xf32, #tpu.memory_space<vmem_shared>> -> memref<200x128xf32, #tpu.memory_space<vmem_shared>>
        tpu.enqueue_dma source(%arg9 : memref<200x128xf32, #tpu.memory_space<vmem>>) target(%dma_start3A_72 : memref<200x128xf32, #tpu.memory_space<vmem_shared>>) target_semaphore(%run_scoped3A : memref<!tpu.dma_semaphore, #tpu.memory_space<semaphore_mem>>)
        %dma_wait3A = arith.constant 0 : i32
        %dma_wait3A_73 = tpu.memref_slice %arg10[%multiple_of3A, %dma_wait3A] : memref<10000x128xf32, #tpu.memory_space<vmem_shared>> -> memref<200x128xf32, #tpu.memory_space<vmem_shared>>
        %dma_wait3A_74 = arith.constant 0 : i32
        %dma_wait3A_75 = tpu.memref_slice %arg10[%multiple_of3A, %dma_wait3A_74] : memref<10000x128xf32, #tpu.memory_space<vmem_shared>> -> memref<200x128xf32, #tpu.memory_space<vmem_shared>>
        tpu.wait_dma2 semaphore(%run_scoped3A : memref<!tpu.dma_semaphore, #tpu.memory_space<semaphore_mem>>) src(%arg9 : memref<200x128xf32, #tpu.memory_space<vmem>>) dst(%dma_wait3A_75 : memref<200x128xf32, #tpu.memory_space<vmem_shared>>)
        tpu.yield
      }) : () -> ()
    } else {
    }
    %add3A_15 = arith.constant 32 : i32
    %add3A_16 = arith.addi %arg1, %add3A_15 : i32
    %lt3A_17 = arith.constant 50 : i32
    %lt3A_18 = arith.cmpi slt, %add3A_16, %lt3A_17 : i32
    %convert_element_type3A_19 = arith.extui %lt3A_18 : i1 to i32
    %cond3A_20 = arith.constant 0 : i32
    %cond3A_21 = arith.cmpi ne, %convert_element_type3A_19, %cond3A_20 : i32
    scf.if %cond3A_21 {
      %mul3A_68 = arith.constant 200 : i32
      %mul3A_69 = arith.muli %add3A_16, %mul3A_68 : i32
      %multiple_of3A = tpu.assume_multiple %mul3A_69, 8 : i32
      "tpu.region"() ({
        %run_scoped3A = tpu.sem_alloc : memref<!tpu.dma_semaphore, #tpu.memory_space<semaphore_mem>>
        %dma_start3A = arith.constant 0 : i32
        %dma_start3A_70 = tpu.memref_slice %arg10[%multiple_of3A, %dma_start3A] : memref<10000x128xf32, #tpu.memory_space<vmem_shared>> -> memref<200x128xf32, #tpu.memory_space<vmem_shared>>
        %dma_start3A_71 = arith.constant 0 : i32
        %dma_start3A_72 = tpu.memref_slice %arg10[%multiple_of3A, %dma_start3A_71] : memref<10000x128xf32, #tpu.memory_space<vmem_shared>> -> memref<200x128xf32, #tpu.memory_space<vmem_shared>>
        tpu.enqueue_dma source(%arg9 : memref<200x128xf32, #tpu.memory_space<vmem>>) target(%dma_start3A_72 : memref<200x128xf32, #tpu.memory_space<vmem_shared>>) target_semaphore(%run_scoped3A : memref<!tpu.dma_semaphore, #tpu.memory_space<semaphore_mem>>)
        %dma_wait3A = arith.constant 0 : i32
        %dma_wait3A_73 = tpu.memref_slice %arg10[%multiple_of3A, %dma_wait3A] : memref<10000x128xf32, #tpu.memory_space<vmem_shared>> -> memref<200x128xf32, #tpu.memory_space<vmem_shared>>
        %dma_wait3A_74 = arith.constant 0 : i32
        %dma_wait3A_75 = tpu.memref_slice %arg10[%multiple_of3A, %dma_wait3A_74] : memref<10000x128xf32, #tpu.memory_space<vmem_shared>> -> memref<200x128xf32, #tpu.memory_space<vmem_shared>>
        tpu.wait_dma2 semaphore(%run_scoped3A : memref<!tpu.dma_semaphore, #tpu.memory_space<semaphore_mem>>) src(%arg9 : memref<200x128xf32, #tpu.memory_space<vmem>>) dst(%dma_wait3A_75 : memref<200x128xf32, #tpu.memory_space<vmem_shared>>)
        tpu.yield
      }) : () -> ()
    } else {
    }
    %add3A_22 = arith.constant 48 : i32
    %add3A_23 = arith.addi %arg1, %add3A_22 : i32
    %lt3A_24 = arith.constant 50 : i32
    %lt3A_25 = arith.cmpi slt, %add3A_23, %lt3A_24 : i32
    %convert_element_type3A_26 = arith.extui %lt3A_25 : i1 to i32
    %cond3A_27 = arith.constant 0 : i32
    %cond3A_28 = arith.cmpi ne, %convert_element_type3A_26, %cond3A_27 : i32
    scf.if %cond3A_28 {
      %mul3A_68 = arith.constant 200 : i32
      %mul3A_69 = arith.muli %add3A_23, %mul3A_68 : i32
      %multiple_of3A = tpu.assume_multiple %mul3A_69, 8 : i32
      "tpu.region"() ({
        %run_scoped3A = tpu.sem_alloc : memref<!tpu.dma_semaphore, #tpu.memory_space<semaphore_mem>>
        %dma_start3A = arith.constant 0 : i32
        %dma_start3A_70 = tpu.memref_slice %arg10[%multiple_of3A, %dma_start3A] : memref<10000x128xf32, #tpu.memory_space<vmem_shared>> -> memref<200x128xf32, #tpu.memory_space<vmem_shared>>
        %dma_start3A_71 = arith.constant 0 : i32
        %dma_start3A_72 = tpu.memref_slice %arg10[%multiple_of3A, %dma_start3A_71] : memref<10000x128xf32, #tpu.memory_space<vmem_shared>> -> memref<200x128xf32, #tpu.memory_space<vmem_shared>>
        tpu.enqueue_dma source(%arg9 : memref<200x128xf32, #tpu.memory_space<vmem>>) target(%dma_start3A_72 : memref<200x128xf32, #tpu.memory_space<vmem_shared>>) target_semaphore(%run_scoped3A : memref<!tpu.dma_semaphore, #tpu.memory_space<semaphore_mem>>)
        %dma_wait3A = arith.constant 0 : i32
        %dma_wait3A_73 = tpu.memref_slice %arg10[%multiple_of3A, %dma_wait3A] : memref<10000x128xf32, #tpu.memory_space<vmem_shared>> -> memref<200x128xf32, #tpu.memory_space<vmem_shared>>
        %dma_wait3A_74 = arith.constant 0 : i32
        %dma_wait3A_75 = tpu.memref_slice %arg10[%multiple_of3A, %dma_wait3A_74] : memref<10000x128xf32, #tpu.memory_space<vmem_shared>> -> memref<200x128xf32, #tpu.memory_space<vmem_shared>>
        tpu.wait_dma2 semaphore(%run_scoped3A : memref<!tpu.dma_semaphore, #tpu.memory_space<semaphore_mem>>) src(%arg9 : memref<200x128xf32, #tpu.memory_space<vmem>>) dst(%dma_wait3A_75 : memref<200x128xf32, #tpu.memory_space<vmem_shared>>)
        tpu.yield
      }) : () -> ()
    } else {
    }
    %barrier3A = arith.constant 0 : index
    tpu.barrier barrier_id(%barrier3A)
    %mul3A = arith.constant 16 : i32
    %mul3A_29 = arith.muli %arg0, %mul3A : i32
    %add3A_30 = arith.addi %mul3A_29, %arg1 : i32
    %mul3A_31 = arith.constant 10000 : i32
    %mul3A_32 = arith.muli %add3A_30, %mul3A_31 : i32
    %scan3A_33 = arith.constant 0 : i32
    %scan3A_34 = arith.constant 0 : i32
    %scan3A_35 = arith.constant 125 : i32
    %scan3A_36 = arith.addi %scan3A_34, %scan3A_35 : i32
    %scan3A_37 = arith.constant 1 : i32
    scf.for %scan3A_68 = %scan3A_34 to %scan3A_36 step %scan3A_37  : i32 {
      %mul3A_69 = arith.constant 80 : i32
      %mul3A_70 = arith.muli %scan3A_68, %mul3A_69 : i32
      %add3A_71 = arith.addi %mul3A_32, %mul3A_70 : i32
      "tpu.region"() ({
        %run_scoped3A = tpu.sem_alloc : memref<!tpu.dma_semaphore, #tpu.memory_space<semaphore_mem>>
        %dma_start3A_79 = tpu.memref_slice %arg3[%add3A_71] : memref<320000xi32, #tpu.memory_space<hbm>> -> memref<80xi32, #tpu.memory_space<hbm>>
        %dma_start3A_80 = tpu.memref_slice %arg3[%add3A_71] : memref<320000xi32, #tpu.memory_space<hbm>> -> memref<80xi32, #tpu.memory_space<hbm>>
        tpu.enqueue_dma source(%dma_start3A_80 : memref<80xi32, #tpu.memory_space<hbm>>) target(%arg6 : memref<80xi32, #tpu.memory_space<vmem>>) target_semaphore(%run_scoped3A : memref<!tpu.dma_semaphore, #tpu.memory_space<semaphore_mem>>)
        %dma_wait3A_81 = tpu.memref_slice %arg3[%add3A_71] : memref<320000xi32, #tpu.memory_space<hbm>> -> memref<80xi32, #tpu.memory_space<hbm>>
        %dma_wait3A_82 = tpu.memref_slice %arg3[%add3A_71] : memref<320000xi32, #tpu.memory_space<hbm>> -> memref<80xi32, #tpu.memory_space<hbm>>
        tpu.wait_dma2 semaphore(%run_scoped3A : memref<!tpu.dma_semaphore, #tpu.memory_space<semaphore_mem>>) src(%dma_wait3A_82 : memref<80xi32, #tpu.memory_space<hbm>>) dst(%arg6 : memref<80xi32, #tpu.memory_space<vmem>>)
        tpu.yield
      }) : () -> ()
      %mul3A_72 = arith.constant 80 : i32
      %mul3A_73 = arith.muli %scan3A_68, %mul3A_72 : i32
      %add3A_74 = arith.addi %mul3A_32, %mul3A_73 : i32
      "tpu.region"() ({
        %run_scoped3A = tpu.sem_alloc : memref<!tpu.dma_semaphore, #tpu.memory_space<semaphore_mem>>
        %dma_start3A_79 = tpu.memref_slice %arg4[%add3A_74] : memref<320000xi32, #tpu.memory_space<hbm>> -> memref<80xi32, #tpu.memory_space<hbm>>
        %dma_start3A_80 = tpu.memref_slice %arg4[%add3A_74] : memref<320000xi32, #tpu.memory_space<hbm>> -> memref<80xi32, #tpu.memory_space<hbm>>
        tpu.enqueue_dma source(%dma_start3A_80 : memref<80xi32, #tpu.memory_space<hbm>>) target(%arg7 : memref<80xi32, #tpu.memory_space<vmem>>) target_semaphore(%run_scoped3A : memref<!tpu.dma_semaphore, #tpu.memory_space<semaphore_mem>>)
        %dma_wait3A_81 = tpu.memref_slice %arg4[%add3A_74] : memref<320000xi32, #tpu.memory_space<hbm>> -> memref<80xi32, #tpu.memory_space<hbm>>
        %dma_wait3A_82 = tpu.memref_slice %arg4[%add3A_74] : memref<320000xi32, #tpu.memory_space<hbm>> -> memref<80xi32, #tpu.memory_space<hbm>>
        tpu.wait_dma2 semaphore(%run_scoped3A : memref<!tpu.dma_semaphore, #tpu.memory_space<semaphore_mem>>) src(%dma_wait3A_82 : memref<80xi32, #tpu.memory_space<hbm>>) dst(%arg7 : memref<80xi32, #tpu.memory_space<vmem>>)
        tpu.yield
      }) : () -> ()
      %dma_start3A = arith.constant 0 : i32
      %dma_start3A_75 = arith.constant 0 : i32
      %dma_start3A_76 = tpu.memref_slice %arg2[%dma_start3A, %dma_start3A_75] : memref<10000x128xf32, #tpu.memory_space<hbm>> -> memref<10000x128xf32, #tpu.memory_space<hbm>>
      tpu.enqueue_indirect_dma source(%dma_start3A_76 : memref<10000x128xf32, #tpu.memory_space<hbm>>) target(%arg8 : memref<80x128xf32, #tpu.memory_space<vmem>>) offsets(%arg6 : memref<80xi32, #tpu.memory_space<vmem>>) semaphore(%arg11 : memref<!tpu.dma_semaphore, #tpu.memory_space<semaphore_mem>>)
      %dma_wait3A = arith.constant 0 : i32
      %dma_wait3A_77 = arith.constant 0 : i32
      %dma_wait3A_78 = tpu.memref_slice %arg2[%dma_wait3A, %dma_wait3A_77] : memref<10000x128xf32, #tpu.memory_space<hbm>> -> memref<10000x128xf32, #tpu.memory_space<hbm>>
      tpu.wait_indirect_dma semaphore(%arg11 : memref<!tpu.dma_semaphore, #tpu.memory_space<semaphore_mem>>) src(%dma_wait3A_78 : memref<10000x128xf32, #tpu.memory_space<hbm>>) dst(%arg8 : memref<80x128xf32, #tpu.memory_space<vmem>>)
      "tpu.region"() ({
        %run_scoped3A = tpu.sem_alloc : memref<!tpu.dma_semaphore, #tpu.memory_space<semaphore_mem>>
        %dma_start3A_79 = arith.constant 0 : i32
        %dma_start3A_80 = arith.constant 0 : i32
        %dma_start3A_81 = tpu.memref_slice %arg10[%dma_start3A_79, %dma_start3A_80] : memref<10000x128xf32, #tpu.memory_space<vmem_shared>> -> memref<10000x128xf32, #tpu.memory_space<vmem_shared>>
        tpu.enqueue_indirect_dma source(%arg8 : memref<80x128xf32, #tpu.memory_space<vmem>>) target(%dma_start3A_81 : memref<10000x128xf32, #tpu.memory_space<vmem_shared>>) offsets(%arg7 : memref<80xi32, #tpu.memory_space<vmem>>) semaphore(%run_scoped3A : memref<!tpu.dma_semaphore, #tpu.memory_space<semaphore_mem>>) {add = true}
        %dma_wait3A_82 = arith.constant 0 : i32
        %dma_wait3A_83 = arith.constant 0 : i32
        %dma_wait3A_84 = tpu.memref_slice %arg10[%dma_wait3A_82, %dma_wait3A_83] : memref<10000x128xf32, #tpu.memory_space<vmem_shared>> -> memref<10000x128xf32, #tpu.memory_space<vmem_shared>>
        tpu.wait_indirect_dma semaphore(%run_scoped3A : memref<!tpu.dma_semaphore, #tpu.memory_space<semaphore_mem>>) src(%arg8 : memref<80x128xf32, #tpu.memory_space<vmem>>) dst(%dma_wait3A_84 : memref<10000x128xf32, #tpu.memory_space<vmem_shared>>)
        tpu.yield
      }) : () -> ()
    }
    %scan3A_38 = arith.constant 125 : i32
    %barrier3A_39 = arith.constant 0 : index
    tpu.barrier barrier_id(%barrier3A_39)
    %add3A_40 = arith.constant 0 : i32
    %add3A_41 = arith.addi %arg1, %add3A_40 : i32
    %lt3A_42 = arith.constant 50 : i32
    %lt3A_43 = arith.cmpi slt, %add3A_41, %lt3A_42 : i32
    %convert_element_type3A_44 = arith.extui %lt3A_43 : i1 to i32
    %cond3A_45 = arith.constant 0 : i32
    %cond3A_46 = arith.cmpi ne, %convert_element_type3A_44, %cond3A_45 : i32
    scf.if %cond3A_46 {
      %mul3A_68 = arith.constant 200 : i32
      %mul3A_69 = arith.muli %add3A_41, %mul3A_68 : i32
      %multiple_of3A = tpu.assume_multiple %mul3A_69, 8 : i32
      "tpu.region"() ({
        %run_scoped3A = tpu.sem_alloc : memref<!tpu.dma_semaphore, #tpu.memory_space<semaphore_mem>>
        %dma_start3A = arith.constant 0 : i32
        %dma_start3A_70 = tpu.memref_slice %arg10[%multiple_of3A, %dma_start3A] : memref<10000x128xf32, #tpu.memory_space<vmem_shared>> -> memref<200x128xf32, #tpu.memory_space<vmem_shared>>
        %dma_start3A_71 = arith.constant 0 : i32
        %dma_start3A_72 = tpu.memref_slice %arg10[%multiple_of3A, %dma_start3A_71] : memref<10000x128xf32, #tpu.memory_space<vmem_shared>> -> memref<200x128xf32, #tpu.memory_space<vmem_shared>>
        tpu.enqueue_dma source(%dma_start3A_72 : memref<200x128xf32, #tpu.memory_space<vmem_shared>>) target(%arg9 : memref<200x128xf32, #tpu.memory_space<vmem>>) target_semaphore(%run_scoped3A : memref<!tpu.dma_semaphore, #tpu.memory_space<semaphore_mem>>)
        %dma_wait3A = arith.constant 0 : i32
        %dma_wait3A_73 = tpu.memref_slice %arg10[%multiple_of3A, %dma_wait3A] : memref<10000x128xf32, #tpu.memory_space<vmem_shared>> -> memref<200x128xf32, #tpu.memory_space<vmem_shared>>
        %dma_wait3A_74 = arith.constant 0 : i32
        %dma_wait3A_75 = tpu.memref_slice %arg10[%multiple_of3A, %dma_wait3A_74] : memref<10000x128xf32, #tpu.memory_space<vmem_shared>> -> memref<200x128xf32, #tpu.memory_space<vmem_shared>>
        tpu.wait_dma2 semaphore(%run_scoped3A : memref<!tpu.dma_semaphore, #tpu.memory_space<semaphore_mem>>) src(%dma_wait3A_75 : memref<200x128xf32, #tpu.memory_space<vmem_shared>>) dst(%arg9 : memref<200x128xf32, #tpu.memory_space<vmem>>)
        tpu.yield
      }) : () -> ()
      "tpu.region"() ({
        %run_scoped3A = tpu.sem_alloc : memref<!tpu.dma_semaphore, #tpu.memory_space<semaphore_mem>>
        %dma_start3A = arith.constant 0 : i32
        %dma_start3A_70 = tpu.memref_slice %arg5[%arg0, %multiple_of3A, %dma_start3A] : memref<2x10000x128xf32, #tpu.memory_space<hbm>> -> memref<1x200x128xf32, #tpu.memory_space<hbm>>
        %dma_start3A_71 = tpu.memref_squeeze %dma_start3A_70 : memref<1x200x128xf32, #tpu.memory_space<hbm>> -> memref<200x128xf32, #tpu.memory_space<hbm>>
        %dma_start3A_72 = arith.constant 0 : i32
        %dma_start3A_73 = tpu.memref_slice %arg5[%arg0, %multiple_of3A, %dma_start3A_72] : memref<2x10000x128xf32, #tpu.memory_space<hbm>> -> memref<1x200x128xf32, #tpu.memory_space<hbm>>
        %dma_start3A_74 = tpu.memref_squeeze %dma_start3A_73 : memref<1x200x128xf32, #tpu.memory_space<hbm>> -> memref<200x128xf32, #tpu.memory_space<hbm>>
        tpu.enqueue_dma source(%arg9 : memref<200x128xf32, #tpu.memory_space<vmem>>) target(%dma_start3A_74 : memref<200x128xf32, #tpu.memory_space<hbm>>) target_semaphore(%run_scoped3A : memref<!tpu.dma_semaphore, #tpu.memory_space<semaphore_mem>>)
        %dma_wait3A = arith.constant 0 : i32
        %dma_wait3A_75 = tpu.memref_slice %arg5[%arg0, %multiple_of3A, %dma_wait3A] : memref<2x10000x128xf32, #tpu.memory_space<hbm>> -> memref<1x200x128xf32, #tpu.memory_space<hbm>>
        %dma_wait3A_76 = tpu.memref_squeeze %dma_wait3A_75 : memref<1x200x128xf32, #tpu.memory_space<hbm>> -> memref<200x128xf32, #tpu.memory_space<hbm>>
        %dma_wait3A_77 = arith.constant 0 : i32
        %dma_wait3A_78 = tpu.memref_slice %arg5[%arg0, %multiple_of3A, %dma_wait3A_77] : memref<2x10000x128xf32, #tpu.memory_space<hbm>> -> memref<1x200x128xf32, #tpu.memory_space<hbm>>
        %dma_wait3A_79 = tpu.memref_squeeze %dma_wait3A_78 : memref<1x200x128xf32, #tpu.memory_space<hbm>> -> memref<200x128xf32, #tpu.memory_space<hbm>>
        tpu.wait_dma2 semaphore(%run_scoped3A : memref<!tpu.dma_semaphore, #tpu.memory_space<semaphore_mem>>) src(%arg9 : memref<200x128xf32, #tpu.memory_space<vmem>>) dst(%dma_wait3A_79 : memref<200x128xf32, #tpu.memory_space<hbm>>)
        tpu.yield
      }) : () -> ()
    } else {
    }
    %add3A_47 = arith.constant 16 : i32
    %add3A_48 = arith.addi %arg1, %add3A_47 : i32
    %lt3A_49 = arith.constant 50 : i32
    %lt3A_50 = arith.cmpi slt, %add3A_48, %lt3A_49 : i32
    %convert_element_type3A_51 = arith.extui %lt3A_50 : i1 to i32
    %cond3A_52 = arith.constant 0 : i32
    %cond3A_53 = arith.cmpi ne, %convert_element_type3A_51, %cond3A_52 : i32
    scf.if %cond3A_53 {
      %mul3A_68 = arith.constant 200 : i32
      %mul3A_69 = arith.muli %add3A_48, %mul3A_68 : i32
      %multiple_of3A = tpu.assume_multiple %mul3A_69, 8 : i32
      "tpu.region"() ({
        %run_scoped3A = tpu.sem_alloc : memref<!tpu.dma_semaphore, #tpu.memory_space<semaphore_mem>>
        %dma_start3A = arith.constant 0 : i32
        %dma_start3A_70 = tpu.memref_slice %arg10[%multiple_of3A, %dma_start3A] : memref<10000x128xf32, #tpu.memory_space<vmem_shared>> -> memref<200x128xf32, #tpu.memory_space<vmem_shared>>
        %dma_start3A_71 = arith.constant 0 : i32
        %dma_start3A_72 = tpu.memref_slice %arg10[%multiple_of3A, %dma_start3A_71] : memref<10000x128xf32, #tpu.memory_space<vmem_shared>> -> memref<200x128xf32, #tpu.memory_space<vmem_shared>>
        tpu.enqueue_dma source(%dma_start3A_72 : memref<200x128xf32, #tpu.memory_space<vmem_shared>>) target(%arg9 : memref<200x128xf32, #tpu.memory_space<vmem>>) target_semaphore(%run_scoped3A : memref<!tpu.dma_semaphore, #tpu.memory_space<semaphore_mem>>)
        %dma_wait3A = arith.constant 0 : i32
        %dma_wait3A_73 = tpu.memref_slice %arg10[%multiple_of3A, %dma_wait3A] : memref<10000x128xf32, #tpu.memory_space<vmem_shared>> -> memref<200x128xf32, #tpu.memory_space<vmem_shared>>
        %dma_wait3A_74 = arith.constant 0 : i32
        %dma_wait3A_75 = tpu.memref_slice %arg10[%multiple_of3A, %dma_wait3A_74] : memref<10000x128xf32, #tpu.memory_space<vmem_shared>> -> memref<200x128xf32, #tpu.memory_space<vmem_shared>>
        tpu.wait_dma2 semaphore(%run_scoped3A : memref<!tpu.dma_semaphore, #tpu.memory_space<semaphore_mem>>) src(%dma_wait3A_75 : memref<200x128xf32, #tpu.memory_space<vmem_shared>>) dst(%arg9 : memref<200x128xf32, #tpu.memory_space<vmem>>)
        tpu.yield
      }) : () -> ()
      "tpu.region"() ({
        %run_scoped3A = tpu.sem_alloc : memref<!tpu.dma_semaphore, #tpu.memory_space<semaphore_mem>>
        %dma_start3A = arith.constant 0 : i32
        %dma_start3A_70 = tpu.memref_slice %arg5[%arg0, %multiple_of3A, %dma_start3A] : memref<2x10000x128xf32, #tpu.memory_space<hbm>> -> memref<1x200x128xf32, #tpu.memory_space<hbm>>
        %dma_start3A_71 = tpu.memref_squeeze %dma_start3A_70 : memref<1x200x128xf32, #tpu.memory_space<hbm>> -> memref<200x128xf32, #tpu.memory_space<hbm>>
        %dma_start3A_72 = arith.constant 0 : i32
        %dma_start3A_73 = tpu.memref_slice %arg5[%arg0, %multiple_of3A, %dma_start3A_72] : memref<2x10000x128xf32, #tpu.memory_space<hbm>> -> memref<1x200x128xf32, #tpu.memory_space<hbm>>
        %dma_start3A_74 = tpu.memref_squeeze %dma_start3A_73 : memref<1x200x128xf32, #tpu.memory_space<hbm>> -> memref<200x128xf32, #tpu.memory_space<hbm>>
        tpu.enqueue_dma source(%arg9 : memref<200x128xf32, #tpu.memory_space<vmem>>) target(%dma_start3A_74 : memref<200x128xf32, #tpu.memory_space<hbm>>) target_semaphore(%run_scoped3A : memref<!tpu.dma_semaphore, #tpu.memory_space<semaphore_mem>>)
        %dma_wait3A = arith.constant 0 : i32
        %dma_wait3A_75 = tpu.memref_slice %arg5[%arg0, %multiple_of3A, %dma_wait3A] : memref<2x10000x128xf32, #tpu.memory_space<hbm>> -> memref<1x200x128xf32, #tpu.memory_space<hbm>>
        %dma_wait3A_76 = tpu.memref_squeeze %dma_wait3A_75 : memref<1x200x128xf32, #tpu.memory_space<hbm>> -> memref<200x128xf32, #tpu.memory_space<hbm>>
        %dma_wait3A_77 = arith.constant 0 : i32
        %dma_wait3A_78 = tpu.memref_slice %arg5[%arg0, %multiple_of3A, %dma_wait3A_77] : memref<2x10000x128xf32, #tpu.memory_space<hbm>> -> memref<1x200x128xf32, #tpu.memory_space<hbm>>
        %dma_wait3A_79 = tpu.memref_squeeze %dma_wait3A_78 : memref<1x200x128xf32, #tpu.memory_space<hbm>> -> memref<200x128xf32, #tpu.memory_space<hbm>>
        tpu.wait_dma2 semaphore(%run_scoped3A : memref<!tpu.dma_semaphore, #tpu.memory_space<semaphore_mem>>) src(%arg9 : memref<200x128xf32, #tpu.memory_space<vmem>>) dst(%dma_wait3A_79 : memref<200x128xf32, #tpu.memory_space<hbm>>)
        tpu.yield
      }) : () -> ()
    } else {
    }
    %add3A_54 = arith.constant 32 : i32
    %add3A_55 = arith.addi %arg1, %add3A_54 : i32
    %lt3A_56 = arith.constant 50 : i32
    %lt3A_57 = arith.cmpi slt, %add3A_55, %lt3A_56 : i32
    %convert_element_type3A_58 = arith.extui %lt3A_57 : i1 to i32
    %cond3A_59 = arith.constant 0 : i32
    %cond3A_60 = arith.cmpi ne, %convert_element_type3A_58, %cond3A_59 : i32
    scf.if %cond3A_60 {
      %mul3A_68 = arith.constant 200 : i32
      %mul3A_69 = arith.muli %add3A_55, %mul3A_68 : i32
      %multiple_of3A = tpu.assume_multiple %mul3A_69, 8 : i32
      "tpu.region"() ({
        %run_scoped3A = tpu.sem_alloc : memref<!tpu.dma_semaphore, #tpu.memory_space<semaphore_mem>>
        %dma_start3A = arith.constant 0 : i32
        %dma_start3A_70 = tpu.memref_slice %arg10[%multiple_of3A, %dma_start3A] : memref<10000x128xf32, #tpu.memory_space<vmem_shared>> -> memref<200x128xf32, #tpu.memory_space<vmem_shared>>
        %dma_start3A_71 = arith.constant 0 : i32
        %dma_start3A_72 = tpu.memref_slice %arg10[%multiple_of3A, %dma_start3A_71] : memref<10000x128xf32, #tpu.memory_space<vmem_shared>> -> memref<200x128xf32, #tpu.memory_space<vmem_shared>>
        tpu.enqueue_dma source(%dma_start3A_72 : memref<200x128xf32, #tpu.memory_space<vmem_shared>>) target(%arg9 : memref<200x128xf32, #tpu.memory_space<vmem>>) target_semaphore(%run_scoped3A : memref<!tpu.dma_semaphore, #tpu.memory_space<semaphore_mem>>)
        %dma_wait3A = arith.constant 0 : i32
        %dma_wait3A_73 = tpu.memref_slice %arg10[%multiple_of3A, %dma_wait3A] : memref<10000x128xf32, #tpu.memory_space<vmem_shared>> -> memref<200x128xf32, #tpu.memory_space<vmem_shared>>
        %dma_wait3A_74 = arith.constant 0 : i32
        %dma_wait3A_75 = tpu.memref_slice %arg10[%multiple_of3A, %dma_wait3A_74] : memref<10000x128xf32, #tpu.memory_space<vmem_shared>> -> memref<200x128xf32, #tpu.memory_space<vmem_shared>>
        tpu.wait_dma2 semaphore(%run_scoped3A : memref<!tpu.dma_semaphore, #tpu.memory_space<semaphore_mem>>) src(%dma_wait3A_75 : memref<200x128xf32, #tpu.memory_space<vmem_shared>>) dst(%arg9 : memref<200x128xf32, #tpu.memory_space<vmem>>)
        tpu.yield
      }) : () -> ()
      "tpu.region"() ({
        %run_scoped3A = tpu.sem_alloc : memref<!tpu.dma_semaphore, #tpu.memory_space<semaphore_mem>>
        %dma_start3A = arith.constant 0 : i32
        %dma_start3A_70 = tpu.memref_slice %arg5[%arg0, %multiple_of3A, %dma_start3A] : memref<2x10000x128xf32, #tpu.memory_space<hbm>> -> memref<1x200x128xf32, #tpu.memory_space<hbm>>
        %dma_start3A_71 = tpu.memref_squeeze %dma_start3A_70 : memref<1x200x128xf32, #tpu.memory_space<hbm>> -> memref<200x128xf32, #tpu.memory_space<hbm>>
        %dma_start3A_72 = arith.constant 0 : i32
        %dma_start3A_73 = tpu.memref_slice %arg5[%arg0, %multiple_of3A, %dma_start3A_72] : memref<2x10000x128xf32, #tpu.memory_space<hbm>> -> memref<1x200x128xf32, #tpu.memory_space<hbm>>
        %dma_start3A_74 = tpu.memref_squeeze %dma_start3A_73 : memref<1x200x128xf32, #tpu.memory_space<hbm>> -> memref<200x128xf32, #tpu.memory_space<hbm>>
        tpu.enqueue_dma source(%arg9 : memref<200x128xf32, #tpu.memory_space<vmem>>) target(%dma_start3A_74 : memref<200x128xf32, #tpu.memory_space<hbm>>) target_semaphore(%run_scoped3A : memref<!tpu.dma_semaphore, #tpu.memory_space<semaphore_mem>>)
        %dma_wait3A = arith.constant 0 : i32
        %dma_wait3A_75 = tpu.memref_slice %arg5[%arg0, %multiple_of3A, %dma_wait3A] : memref<2x10000x128xf32, #tpu.memory_space<hbm>> -> memref<1x200x128xf32, #tpu.memory_space<hbm>>
        %dma_wait3A_76 = tpu.memref_squeeze %dma_wait3A_75 : memref<1x200x128xf32, #tpu.memory_space<hbm>> -> memref<200x128xf32, #tpu.memory_space<hbm>>
        %dma_wait3A_77 = arith.constant 0 : i32
        %dma_wait3A_78 = tpu.memref_slice %arg5[%arg0, %multiple_of3A, %dma_wait3A_77] : memref<2x10000x128xf32, #tpu.memory_space<hbm>> -> memref<1x200x128xf32, #tpu.memory_space<hbm>>
        %dma_wait3A_79 = tpu.memref_squeeze %dma_wait3A_78 : memref<1x200x128xf32, #tpu.memory_space<hbm>> -> memref<200x128xf32, #tpu.memory_space<hbm>>
        tpu.wait_dma2 semaphore(%run_scoped3A : memref<!tpu.dma_semaphore, #tpu.memory_space<semaphore_mem>>) src(%arg9 : memref<200x128xf32, #tpu.memory_space<vmem>>) dst(%dma_wait3A_79 : memref<200x128xf32, #tpu.memory_space<hbm>>)
        tpu.yield
      }) : () -> ()
    } else {
    }
    %add3A_61 = arith.constant 48 : i32
    %add3A_62 = arith.addi %arg1, %add3A_61 : i32
    %lt3A_63 = arith.constant 50 : i32
    %lt3A_64 = arith.cmpi slt, %add3A_62, %lt3A_63 : i32
    %convert_element_type3A_65 = arith.extui %lt3A_64 : i1 to i32
    %cond3A_66 = arith.constant 0 : i32
    %cond3A_67 = arith.cmpi ne, %convert_element_type3A_65, %cond3A_66 : i32
    scf.if %cond3A_67 {
      %mul3A_68 = arith.constant 200 : i32
      %mul3A_69 = arith.muli %add3A_62, %mul3A_68 : i32
      %multiple_of3A = tpu.assume_multiple %mul3A_69, 8 : i32
      "tpu.region"() ({
        %run_scoped3A = tpu.sem_alloc : memref<!tpu.dma_semaphore, #tpu.memory_space<semaphore_mem>>
        %dma_start3A = arith.constant 0 : i32
        %dma_start3A_70 = tpu.memref_slice %arg10[%multiple_of3A, %dma_start3A] : memref<10000x128xf32, #tpu.memory_space<vmem_shared>> -> memref<200x128xf32, #tpu.memory_space<vmem_shared>>
        %dma_start3A_71 = arith.constant 0 : i32
        %dma_start3A_72 = tpu.memref_slice %arg10[%multiple_of3A, %dma_start3A_71] : memref<10000x128xf32, #tpu.memory_space<vmem_shared>> -> memref<200x128xf32, #tpu.memory_space<vmem_shared>>
        tpu.enqueue_dma source(%dma_start3A_72 : memref<200x128xf32, #tpu.memory_space<vmem_shared>>) target(%arg9 : memref<200x128xf32, #tpu.memory_space<vmem>>) target_semaphore(%run_scoped3A : memref<!tpu.dma_semaphore, #tpu.memory_space<semaphore_mem>>)
        %dma_wait3A = arith.constant 0 : i32
        %dma_wait3A_73 = tpu.memref_slice %arg10[%multiple_of3A, %dma_wait3A] : memref<10000x128xf32, #tpu.memory_space<vmem_shared>> -> memref<200x128xf32, #tpu.memory_space<vmem_shared>>
        %dma_wait3A_74 = arith.constant 0 : i32
        %dma_wait3A_75 = tpu.memref_slice %arg10[%multiple_of3A, %dma_wait3A_74] : memref<10000x128xf32, #tpu.memory_space<vmem_shared>> -> memref<200x128xf32, #tpu.memory_space<vmem_shared>>
        tpu.wait_dma2 semaphore(%run_scoped3A : memref<!tpu.dma_semaphore, #tpu.memory_space<semaphore_mem>>) src(%dma_wait3A_75 : memref<200x128xf32, #tpu.memory_space<vmem_shared>>) dst(%arg9 : memref<200x128xf32, #tpu.memory_space<vmem>>)
        tpu.yield
      }) : () -> ()
      "tpu.region"() ({
        %run_scoped3A = tpu.sem_alloc : memref<!tpu.dma_semaphore, #tpu.memory_space<semaphore_mem>>
        %dma_start3A = arith.constant 0 : i32
        %dma_start3A_70 = tpu.memref_slice %arg5[%arg0, %multiple_of3A, %dma_start3A] : memref<2x10000x128xf32, #tpu.memory_space<hbm>> -> memref<1x200x128xf32, #tpu.memory_space<hbm>>
        %dma_start3A_71 = tpu.memref_squeeze %dma_start3A_70 : memref<1x200x128xf32, #tpu.memory_space<hbm>> -> memref<200x128xf32, #tpu.memory_space<hbm>>
        %dma_start3A_72 = arith.constant 0 : i32
        %dma_start3A_73 = tpu.memref_slice %arg5[%arg0, %multiple_of3A, %dma_start3A_72] : memref<2x10000x128xf32, #tpu.memory_space<hbm>> -> memref<1x200x128xf32, #tpu.memory_space<hbm>>
        %dma_start3A_74 = tpu.memref_squeeze %dma_start3A_73 : memref<1x200x128xf32, #tpu.memory_space<hbm>> -> memref<200x128xf32, #tpu.memory_space<hbm>>
        tpu.enqueue_dma source(%arg9 : memref<200x128xf32, #tpu.memory_space<vmem>>) target(%dma_start3A_74 : memref<200x128xf32, #tpu.memory_space<hbm>>) target_semaphore(%run_scoped3A : memref<!tpu.dma_semaphore, #tpu.memory_space<semaphore_mem>>)
        %dma_wait3A = arith.constant 0 : i32
        %dma_wait3A_75 = tpu.memref_slice %arg5[%arg0, %multiple_of3A, %dma_wait3A] : memref<2x10000x128xf32, #tpu.memory_space<hbm>> -> memref<1x200x128xf32, #tpu.memory_space<hbm>>
        %dma_wait3A_76 = tpu.memref_squeeze %dma_wait3A_75 : memref<1x200x128xf32, #tpu.memory_space<hbm>> -> memref<200x128xf32, #tpu.memory_space<hbm>>
        %dma_wait3A_77 = arith.constant 0 : i32
        %dma_wait3A_78 = tpu.memref_slice %arg5[%arg0, %multiple_of3A, %dma_wait3A_77] : memref<2x10000x128xf32, #tpu.memory_space<hbm>> -> memref<1x200x128xf32, #tpu.memory_space<hbm>>
        %dma_wait3A_79 = tpu.memref_squeeze %dma_wait3A_78 : memref<1x200x128xf32, #tpu.memory_space<hbm>> -> memref<200x128xf32, #tpu.memory_space<hbm>>
        tpu.wait_dma2 semaphore(%run_scoped3A : memref<!tpu.dma_semaphore, #tpu.memory_space<semaphore_mem>>) src(%arg9 : memref<200x128xf32, #tpu.memory_space<vmem>>) dst(%dma_wait3A_79 : memref<200x128xf32, #tpu.memory_space<hbm>>)
        tpu.yield
      }) : () -> ()
    } else {
    }
    return
  }
}

#map = affine_map<(d0, d1) -> (0, 0)>
#map1 = affine_map<(d0, d1) -> (0)>
#map2 = affine_map<(d0, d1) -> (0, 0, 0)>
module attributes {stable_mosaic.version = 14 : i64} {
  func.func @body(%arg0: i32, %arg1: i32, %arg2: memref<10000x128xf32, #tpu.memory_space<hbm>>, %arg3: memref<320000xi32, #tpu.memory_space<hbm>>, %arg4: memref<320000xi32, #tpu.memory_space<hbm>>, %arg5: memref<2x10000x128xf32, #tpu.memory_space<hbm>>, %arg6: memref<80xi32, #tpu.memory_space<vmem>>, %arg7: memref<80xi32, #tpu.memory_space<vmem>>, %arg8: memref<80x128xf32, #tpu.memory_space<vmem>>, %arg9: memref<200x128xf32, #tpu.memory_space<vmem>>, %arg10: memref<10000x128xf32, #tpu.memory_space<vmem_shared>>, %arg11: memref<!tpu.dma_semaphore, #tpu.memory_space<semaphore_mem>>) attributes {dimension_semantics = [#tpu.dimension_semantics<core_parallel>, #tpu.dimension_semantics<subcore_parallel>], iteration_bounds = array<i64: 2, 16>, scalar_prefetch = 0 : i64, scratch_operands = 6 : i64, tpu.core_type = #tpu.core_type<sc_vector_subcore>, window_params = [{transform_indices = #map}, {transform_indices = #map1}, {transform_indices = #map1}, {transform_indices = #map2}]} {
    %scan3A = arith.constant 0 : i32
    %scan3A_0 = arith.constant 0 : i32
    %scan3A_1 = arith.constant 200 : i32
    %scan3A_2 = arith.addi %scan3A_0, %scan3A_1 : i32
    %scan3A_3 = arith.constant 1 : i32
    scf.for %scan3A_68 = %scan3A_0 to %scan3A_2 step %scan3A_3  : i32 {
      %broadcast_in_dim3A = arith.constant 0.000000e+00 : f32
      %broadcast_in_dim3A_69 = vector.broadcast %broadcast_in_dim3A : f32 to vector<16xf32>
      %swap3A = arith.index_cast %scan3A_68 : i32 to index
      %swap3A_70 = arith.constant 0 : index
      %swap3A_71 = tpu.vector_load %arg9[%swap3A, %swap3A_70] {strides = array<i32>} : memref<200x128xf32, #tpu.memory_space<vmem>>, vector<1x16xf32>,
      %swap3A_72 = vector.shape_cast %swap3A_71 : vector<1x16xf32> to vector<16xf32>
      %swap3A_73 = vector.shape_cast %broadcast_in_dim3A_69 : vector<16xf32> to vector<1x16xf32>
      tpu.vector_store %arg9[%swap3A, %swap3A_70], %swap3A_73 {strides = array<i32>} : memref<200x128xf32, #tpu.memory_space<vmem>>, vector<1x16xf32>,
      %broadcast_in_dim3A_74 = arith.constant 0.000000e+00 : f32
      %broadcast_in_dim3A_75 = vector.broadcast %broadcast_in_dim3A_74 : f32 to vector<16xf32>
      %swap3A_76 = arith.index_cast %scan3A_68 : i32 to index
      %swap3A_77 = arith.constant 16 : index
      %swap3A_78 = tpu.vector_load %arg9[%swap3A_76, %swap3A_77] {strides = array<i32>} : memref<200x128xf32, #tpu.memory_space<vmem>>, vector<1x16xf32>,
      %swap3A_79 = vector.shape_cast %swap3A_78 : vector<1x16xf32> to vector<16xf32>
      %swap3A_80 = vector.shape_cast %broadcast_in_dim3A_75 : vector<16xf32> to vector<1x16xf32>
      tpu.vector_store %arg9[%swap3A_76, %swap3A_77], %swap3A_80 {strides = array<i32>} : memref<200x128xf32, #tpu.memory_space<vmem>>, vector<1x16xf32>,
      %broadcast_in_dim3A_81 = arith.constant 0.000000e+00 : f32
      %broadcast_in_dim3A_82 = vector.broadcast %broadcast_in_dim3A_81 : f32 to vector<16xf32>
      %swap3A_83 = arith.index_cast %scan3A_68 : i32 to index
      %swap3A_84 = arith.constant 32 : index
      %swap3A_85 = tpu.vector_load %arg9[%swap3A_83, %swap3A_84] {strides = array<i32>} : memref<200x128xf32, #tpu.memory_space<vmem>>, vector<1x16xf32>,
      %swap3A_86 = vector.shape_cast %swap3A_85 : vector<1x16xf32> to vector<16xf32>
      %swap3A_87 = vector.shape_cast %broadcast_in_dim3A_82 : vector<16xf32> to vector<1x16xf32>
      tpu.vector_store %arg9[%swap3A_83, %swap3A_84], %swap3A_87 {strides = array<i32>} : memref<200x128xf32, #tpu.memory_space<vmem>>, vector<1x16xf32>,
      %broadcast_in_dim3A_88 = arith.constant 0.000000e+00 : f32
      %broadcast_in_dim3A_89 = vector.broadcast %broadcast_in_dim3A_88 : f32 to vector<16xf32>
      %swap3A_90 = arith.index_cast %scan3A_68 : i32 to index
      %swap3A_91 = arith.constant 48 : index
      %swap3A_92 = tpu.vector_load %arg9[%swap3A_90, %swap3A_91] {strides = array<i32>} : memref<200x128xf32, #tpu.memory_space<vmem>>, vector<1x16xf32>,
      %swap3A_93 = vector.shape_cast %swap3A_92 : vector<1x16xf32> to vector<16xf32>
      %swap3A_94 = vector.shape_cast %broadcast_in_dim3A_89 : vector<16xf32> to vector<1x16xf32>
      tpu.vector_store %arg9[%swap3A_90, %swap3A_91], %swap3A_94 {strides = array<i32>} : memref<200x128xf32, #tpu.memory_space<vmem>>, vector<1x16xf32>,
      %broadcast_in_dim3A_95 = arith.constant 0.000000e+00 : f32
      %broadcast_in_dim3A_96 = vector.broadcast %broadcast_in_dim3A_95 : f32 to vector<16xf32>
      %swap3A_97 = arith.index_cast %scan3A_68 : i32 to index
      %swap3A_98 = arith.constant 64 : index
      %swap3A_99 = tpu.vector_load %arg9[%swap3A_97, %swap3A_98] {strides = array<i32>} : memref<200x128xf32, #tpu.memory_space<vmem>>, vector<1x16xf32>,
      %swap3A_100 = vector.shape_cast %swap3A_99 : vector<1x16xf32> to vector<16xf32>
      %swap3A_101 = vector.shape_cast %broadcast_in_dim3A_96 : vector<16xf32> to vector<1x16xf32>
      tpu.vector_store %arg9[%swap3A_97, %swap3A_98], %swap3A_101 {strides = array<i32>} : memref<200x128xf32, #tpu.memory_space<vmem>>, vector<1x16xf32>,
      %broadcast_in_dim3A_102 = arith.constant 0.000000e+00 : f32
      %broadcast_in_dim3A_103 = vector.broadcast %broadcast_in_dim3A_102 : f32 to vector<16xf32>
      %swap3A_104 = arith.index_cast %scan3A_68 : i32 to index
      %swap3A_105 = arith.constant 80 : index
      %swap3A_106 = tpu.vector_load %arg9[%swap3A_104, %swap3A_105] {strides = array<i32>} : memref<200x128xf32, #tpu.memory_space<vmem>>, vector<1x16xf32>,
      %swap3A_107 = vector.shape_cast %swap3A_106 : vector<1x16xf32> to vector<16xf32>
      %swap3A_108 = vector.shape_cast %broadcast_in_dim3A_103 : vector<16xf32> to vector<1x16xf32>
      tpu.vector_store %arg9[%swap3A_104, %swap3A_105], %swap3A_108 {strides = array<i32>} : memref<200x128xf32, #tpu.memory_space<vmem>>, vector<1x16xf32>,
      %broadcast_in_dim3A_109 = arith.constant 0.000000e+00 : f32
      %broadcast_in_dim3A_110 = vector.broadcast %broadcast_in_dim3A_109 : f32 to vector<16xf32>
      %swap3A_111 = arith.index_cast %scan3A_68 : i32 to index
      %swap3A_112 = arith.constant 96 : index
      %swap3A_113 = tpu.vector_load %arg9[%swap3A_111, %swap3A_112] {strides = array<i32>} : memref<200x128xf32, #tpu.memory_space<vmem>>, vector<1x16xf32>,
      %swap3A_114 = vector.shape_cast %swap3A_113 : vector<1x16xf32> to vector<16xf32>
      %swap3A_115 = vector.shape_cast %broadcast_in_dim3A_110 : vector<16xf32> to vector<1x16xf32>
      tpu.vector_store %arg9[%swap3A_111, %swap3A_112], %swap3A_115 {strides = array<i32>} : memref<200x128xf32, #tpu.memory_space<vmem>>, vector<1x16xf32>,
      %broadcast_in_dim3A_116 = arith.constant 0.000000e+00 : f32
      %broadcast_in_dim3A_117 = vector.broadcast %broadcast_in_dim3A_116 : f32 to vector<16xf32>
      %swap3A_118 = arith.index_cast %scan3A_68 : i32 to index
      %swap3A_119 = arith.constant 112 : index
      %swap3A_120 = tpu.vector_load %arg9[%swap3A_118, %swap3A_119] {strides = array<i32>} : memref<200x128xf32, #tpu.memory_space<vmem>>, vector<1x16xf32>,
      %swap3A_121 = vector.shape_cast %swap3A_120 : vector<1x16xf32> to vector<16xf32>
      %swap3A_122 = vector.shape_cast %broadcast_in_dim3A_117 : vector<16xf32> to vector<1x16xf32>
      tpu.vector_store %arg9[%swap3A_118, %swap3A_119], %swap3A_122 {strides = array<i32>} : memref<200x128xf32, #tpu.memory_space<vmem>>, vector<1x16xf32>,
    }
    %scan3A_4 = arith.constant 200 : i32
    %add3A = arith.constant 0 : i32
    %add3A_5 = arith.addi %arg1, %add3A : i32
    %lt3A = arith.constant 50 : i32
    %lt3A_6 = arith.cmpi slt, %add3A_5, %lt3A : i32
    %convert_element_type3A = arith.extui %lt3A_6 : i1 to i32
    %cond3A = arith.constant 0 : i32
    %cond3A_7 = arith.cmpi ne, %convert_element_type3A, %cond3A : i32
    scf.if %cond3A_7 {
      %mul3A_68 = arith.constant 200 : i32
      %mul3A_69 = arith.muli %add3A_5, %mul3A_68 : i32
      %multiple_of3A = tpu.assume_multiple %mul3A_69, 8 : i32
      "tpu.region"() ({
        %run_scoped3A = tpu.sem_alloc : memref<!tpu.dma_semaphore, #tpu.memory_space<semaphore_mem>>
        %dma_start3A = arith.constant 0 : i32
        %dma_start3A_70 = tpu.memref_slice %arg10[%multiple_of3A, %dma_start3A] : memref<10000x128xf32, #tpu.memory_space<vmem_shared>> -> memref<200x128xf32, #tpu.memory_space<vmem_shared>>
        %dma_start3A_71 = arith.constant 0 : i32
        %dma_start3A_72 = tpu.memref_slice %arg10[%multiple_of3A, %dma_start3A_71] : memref<10000x128xf32, #tpu.memory_space<vmem_shared>> -> memref<200x128xf32, #tpu.memory_space<vmem_shared>>
        tpu.enqueue_dma source(%arg9 : memref<200x128xf32, #tpu.memory_space<vmem>>) target(%dma_start3A_72 : memref<200x128xf32, #tpu.memory_space<vmem_shared>>) target_semaphore(%run_scoped3A : memref<!tpu.dma_semaphore, #tpu.memory_space<semaphore_mem>>)
        %dma_wait3A = arith.constant 0 : i32
        %dma_wait3A_73 = tpu.memref_slice %arg10[%multiple_of3A, %dma_wait3A] : memref<10000x128xf32, #tpu.memory_space<vmem_shared>> -> memref<200x128xf32, #tpu.memory_space<vmem_shared>>
        %dma_wait3A_74 = arith.constant 0 : i32
        %dma_wait3A_75 = tpu.memref_slice %arg10[%multiple_of3A, %dma_wait3A_74] : memref<10000x128xf32, #tpu.memory_space<vmem_shared>> -> memref<200x128xf32, #tpu.memory_space<vmem_shared>>
        tpu.wait_dma2 semaphore(%run_scoped3A : memref<!tpu.dma_semaphore, #tpu.memory_space<semaphore_mem>>) src(%arg9 : memref<200x128xf32, #tpu.memory_space<vmem>>) dst(%dma_wait3A_75 : memref<200x128xf32, #tpu.memory_space<vmem_shared>>)
        tpu.yield
      }) : () -> ()
    } else {
    }
    %add3A_8 = arith.constant 16 : i32
    %add3A_9 = arith.addi %arg1, %add3A_8 : i32
    %lt3A_10 = arith.constant 50 : i32
    %lt3A_11 = arith.cmpi slt, %add3A_9, %lt3A_10 : i32
    %convert_element_type3A_12 = arith.extui %lt3A_11 : i1 to i32
    %cond3A_13 = arith.constant 0 : i32
    %cond3A_14 = arith.cmpi ne, %convert_element_type3A_12, %cond3A_13 : i32
    scf.if %cond3A_14 {
      %mul3A_68 = arith.constant 200 : i32
      %mul3A_69 = arith.muli %add3A_9, %mul3A_68 : i32
      %multiple_of3A = tpu.assume_multiple %mul3A_69, 8 : i32
      "tpu.region"() ({
        %run_scoped3A = tpu.sem_alloc : memref<!tpu.dma_semaphore, #tpu.memory_space<semaphore_mem>>
        %dma_start3A = arith.constant 0 : i32
        %dma_start3A_70 = tpu.memref_slice %arg10[%multiple_of3A, %dma_start3A] : memref<10000x128xf32, #tpu.memory_space<vmem_shared>> -> memref<200x128xf32, #tpu.memory_space<vmem_shared>>
        %dma_start3A_71 = arith.constant 0 : i32
        %dma_start3A_72 = tpu.memref_slice %arg10[%multiple_of3A, %dma_start3A_71] : memref<10000x128xf32, #tpu.memory_space<vmem_shared>> -> memref<200x128xf32, #tpu.memory_space<vmem_shared>>
        tpu.enqueue_dma source(%arg9 : memref<200x128xf32, #tpu.memory_space<vmem>>) target(%dma_start3A_72 : memref<200x128xf32, #tpu.memory_space<vmem_shared>>) target_semaphore(%run_scoped3A : memref<!tpu.dma_semaphore, #tpu.memory_space<semaphore_mem>>)
        %dma_wait3A = arith.constant 0 : i32
        %dma_wait3A_73 = tpu.memref_slice %arg10[%multiple_of3A, %dma_wait3A] : memref<10000x128xf32, #tpu.memory_space<vmem_shared>> -> memref<200x128xf32, #tpu.memory_space<vmem_shared>>
        %dma_wait3A_74 = arith.constant 0 : i32
        %dma_wait3A_75 = tpu.memref_slice %arg10[%multiple_of3A, %dma_wait3A_74] : memref<10000x128xf32, #tpu.memory_space<vmem_shared>> -> memref<200x128xf32, #tpu.memory_space<vmem_shared>>
        tpu.wait_dma2 semaphore(%run_scoped3A : memref<!tpu.dma_semaphore, #tpu.memory_space<semaphore_mem>>) src(%arg9 : memref<200x128xf32, #tpu.memory_space<vmem>>) dst(%dma_wait3A_75 : memref<200x128xf32, #tpu.memory_space<vmem_shared>>)
        tpu.yield
      }) : () -> ()
    } else {
    }
    %add3A_15 = arith.constant 32 : i32
    %add3A_16 = arith.addi %arg1, %add3A_15 : i32
    %lt3A_17 = arith.constant 50 : i32
    %lt3A_18 = arith.cmpi slt, %add3A_16, %lt3A_17 : i32
    %convert_element_type3A_19 = arith.extui %lt3A_18 : i1 to i32
    %cond3A_20 = arith.constant 0 : i32
    %cond3A_21 = arith.cmpi ne, %convert_element_type3A_19, %cond3A_20 : i32
    scf.if %cond3A_21 {
      %mul3A_68 = arith.constant 200 : i32
      %mul3A_69 = arith.muli %add3A_16, %mul3A_68 : i32
      %multiple_of3A = tpu.assume_multiple %mul3A_69, 8 : i32
      "tpu.region"() ({
        %run_scoped3A = tpu.sem_alloc : memref<!tpu.dma_semaphore, #tpu.memory_space<semaphore_mem>>
        %dma_start3A = arith.constant 0 : i32
        %dma_start3A_70 = tpu.memref_slice %arg10[%multiple_of3A, %dma_start3A] : memref<10000x128xf32, #tpu.memory_space<vmem_shared>> -> memref<200x128xf32, #tpu.memory_space<vmem_shared>>
        %dma_start3A_71 = arith.constant 0 : i32
        %dma_start3A_72 = tpu.memref_slice %arg10[%multiple_of3A, %dma_start3A_71] : memref<10000x128xf32, #tpu.memory_space<vmem_shared>> -> memref<200x128xf32, #tpu.memory_space<vmem_shared>>
        tpu.enqueue_dma source(%arg9 : memref<200x128xf32, #tpu.memory_space<vmem>>) target(%dma_start3A_72 : memref<200x128xf32, #tpu.memory_space<vmem_shared>>) target_semaphore(%run_scoped3A : memref<!tpu.dma_semaphore, #tpu.memory_space<semaphore_mem>>)
        %dma_wait3A = arith.constant 0 : i32
        %dma_wait3A_73 = tpu.memref_slice %arg10[%multiple_of3A, %dma_wait3A] : memref<10000x128xf32, #tpu.memory_space<vmem_shared>> -> memref<200x128xf32, #tpu.memory_space<vmem_shared>>
        %dma_wait3A_74 = arith.constant 0 : i32
        %dma_wait3A_75 = tpu.memref_slice %arg10[%multiple_of3A, %dma_wait3A_74] : memref<10000x128xf32, #tpu.memory_space<vmem_shared>> -> memref<200x128xf32, #tpu.memory_space<vmem_shared>>
        tpu.wait_dma2 semaphore(%run_scoped3A : memref<!tpu.dma_semaphore, #tpu.memory_space<semaphore_mem>>) src(%arg9 : memref<200x128xf32, #tpu.memory_space<vmem>>) dst(%dma_wait3A_75 : memref<200x128xf32, #tpu.memory_space<vmem_shared>>)
        tpu.yield
      }) : () -> ()
    } else {
    }
    %add3A_22 = arith.constant 48 : i32
    %add3A_23 = arith.addi %arg1, %add3A_22 : i32
    %lt3A_24 = arith.constant 50 : i32
    %lt3A_25 = arith.cmpi slt, %add3A_23, %lt3A_24 : i32
    %convert_element_type3A_26 = arith.extui %lt3A_25 : i1 to i32
    %cond3A_27 = arith.constant 0 : i32
    %cond3A_28 = arith.cmpi ne, %convert_element_type3A_26, %cond3A_27 : i32
    scf.if %cond3A_28 {
      %mul3A_68 = arith.constant 200 : i32
      %mul3A_69 = arith.muli %add3A_23, %mul3A_68 : i32
      %multiple_of3A = tpu.assume_multiple %mul3A_69, 8 : i32
      "tpu.region"() ({
        %run_scoped3A = tpu.sem_alloc : memref<!tpu.dma_semaphore, #tpu.memory_space<semaphore_mem>>
        %dma_start3A = arith.constant 0 : i32
        %dma_start3A_70 = tpu.memref_slice %arg10[%multiple_of3A, %dma_start3A] : memref<10000x128xf32, #tpu.memory_space<vmem_shared>> -> memref<200x128xf32, #tpu.memory_space<vmem_shared>>
        %dma_start3A_71 = arith.constant 0 : i32
        %dma_start3A_72 = tpu.memref_slice %arg10[%multiple_of3A, %dma_start3A_71] : memref<10000x128xf32, #tpu.memory_space<vmem_shared>> -> memref<200x128xf32, #tpu.memory_space<vmem_shared>>
        tpu.enqueue_dma source(%arg9 : memref<200x128xf32, #tpu.memory_space<vmem>>) target(%dma_start3A_72 : memref<200x128xf32, #tpu.memory_space<vmem_shared>>) target_semaphore(%run_scoped3A : memref<!tpu.dma_semaphore, #tpu.memory_space<semaphore_mem>>)
        %dma_wait3A = arith.constant 0 : i32
        %dma_wait3A_73 = tpu.memref_slice %arg10[%multiple_of3A, %dma_wait3A] : memref<10000x128xf32, #tpu.memory_space<vmem_shared>> -> memref<200x128xf32, #tpu.memory_space<vmem_shared>>
        %dma_wait3A_74 = arith.constant 0 : i32
        %dma_wait3A_75 = tpu.memref_slice %arg10[%multiple_of3A, %dma_wait3A_74] : memref<10000x128xf32, #tpu.memory_space<vmem_shared>> -> memref<200x128xf32, #tpu.memory_space<vmem_shared>>
        tpu.wait_dma2 semaphore(%run_scoped3A : memref<!tpu.dma_semaphore, #tpu.memory_space<semaphore_mem>>) src(%arg9 : memref<200x128xf32, #tpu.memory_space<vmem>>) dst(%dma_wait3A_75 : memref<200x128xf32, #tpu.memory_space<vmem_shared>>)
        tpu.yield
      }) : () -> ()
    } else {
    }
    %barrier3A = arith.constant 0 : index
    tpu.barrier barrier_id(%barrier3A)
    %mul3A = arith.constant 16 : i32
    %mul3A_29 = arith.muli %arg0, %mul3A : i32
    %add3A_30 = arith.addi %mul3A_29, %arg1 : i32
    %mul3A_31 = arith.constant 10000 : i32
    %mul3A_32 = arith.muli %add3A_30, %mul3A_31 : i32
    %scan3A_33 = arith.constant 0 : i32
    %scan3A_34 = arith.constant 0 : i32
    %scan3A_35 = arith.constant 125 : i32
    %scan3A_36 = arith.addi %scan3A_34, %scan3A_35 : i32
    %scan3A_37 = arith.constant 1 : i32
    scf.for %scan3A_68 = %scan3A_34 to %scan3A_36 step %scan3A_37  : i32 {
      %mul3A_69 = arith.constant 80 : i32
      %mul3A_70 = arith.muli %scan3A_68, %mul3A_69 : i32
      %add3A_71 = arith.addi %mul3A_32, %mul3A_70 : i32
      "tpu.region"() ({
        %run_scoped3A = tpu.sem_alloc : memref<!tpu.dma_semaphore, #tpu.memory_space<semaphore_mem>>
        %dma_start3A_79 = tpu.memref_slice %arg3[%add3A_71] : memref<320000xi32, #tpu.memory_space<hbm>> -> memref<80xi32, #tpu.memory_space<hbm>>
        %dma_start3A_80 = tpu.memref_slice %arg3[%add3A_71] : memref<320000xi32, #tpu.memory_space<hbm>> -> memref<80xi32, #tpu.memory_space<hbm>>
        tpu.enqueue_dma source(%dma_start3A_80 : memref<80xi32, #tpu.memory_space<hbm>>) target(%arg6 : memref<80xi32, #tpu.memory_space<vmem>>) target_semaphore(%run_scoped3A : memref<!tpu.dma_semaphore, #tpu.memory_space<semaphore_mem>>)
        %dma_wait3A_81 = tpu.memref_slice %arg3[%add3A_71] : memref<320000xi32, #tpu.memory_space<hbm>> -> memref<80xi32, #tpu.memory_space<hbm>>
        %dma_wait3A_82 = tpu.memref_slice %arg3[%add3A_71] : memref<320000xi32, #tpu.memory_space<hbm>> -> memref<80xi32, #tpu.memory_space<hbm>>
        tpu.wait_dma2 semaphore(%run_scoped3A : memref<!tpu.dma_semaphore, #tpu.memory_space<semaphore_mem>>) src(%dma_wait3A_82 : memref<80xi32, #tpu.memory_space<hbm>>) dst(%arg6 : memref<80xi32, #tpu.memory_space<vmem>>)
        tpu.yield
      }) : () -> ()
      %mul3A_72 = arith.constant 80 : i32
      %mul3A_73 = arith.muli %scan3A_68, %mul3A_72 : i32
      %add3A_74 = arith.addi %mul3A_32, %mul3A_73 : i32
      "tpu.region"() ({
        %run_scoped3A = tpu.sem_alloc : memref<!tpu.dma_semaphore, #tpu.memory_space<semaphore_mem>>
        %dma_start3A_79 = tpu.memref_slice %arg4[%add3A_74] : memref<320000xi32, #tpu.memory_space<hbm>> -> memref<80xi32, #tpu.memory_space<hbm>>
        %dma_start3A_80 = tpu.memref_slice %arg4[%add3A_74] : memref<320000xi32, #tpu.memory_space<hbm>> -> memref<80xi32, #tpu.memory_space<hbm>>
        tpu.enqueue_dma source(%dma_start3A_80 : memref<80xi32, #tpu.memory_space<hbm>>) target(%arg7 : memref<80xi32, #tpu.memory_space<vmem>>) target_semaphore(%run_scoped3A : memref<!tpu.dma_semaphore, #tpu.memory_space<semaphore_mem>>)
        %dma_wait3A_81 = tpu.memref_slice %arg4[%add3A_74] : memref<320000xi32, #tpu.memory_space<hbm>> -> memref<80xi32, #tpu.memory_space<hbm>>
        %dma_wait3A_82 = tpu.memref_slice %arg4[%add3A_74] : memref<320000xi32, #tpu.memory_space<hbm>> -> memref<80xi32, #tpu.memory_space<hbm>>
        tpu.wait_dma2 semaphore(%run_scoped3A : memref<!tpu.dma_semaphore, #tpu.memory_space<semaphore_mem>>) src(%dma_wait3A_82 : memref<80xi32, #tpu.memory_space<hbm>>) dst(%arg7 : memref<80xi32, #tpu.memory_space<vmem>>)
        tpu.yield
      }) : () -> ()
      %dma_start3A = arith.constant 0 : i32
      %dma_start3A_75 = arith.constant 0 : i32
      %dma_start3A_76 = tpu.memref_slice %arg2[%dma_start3A, %dma_start3A_75] : memref<10000x128xf32, #tpu.memory_space<hbm>> -> memref<10000x128xf32, #tpu.memory_space<hbm>>
      tpu.enqueue_indirect_dma source(%dma_start3A_76 : memref<10000x128xf32, #tpu.memory_space<hbm>>) target(%arg8 : memref<80x128xf32, #tpu.memory_space<vmem>>) offsets(%arg6 : memref<80xi32, #tpu.memory_space<vmem>>) semaphore(%arg11 : memref<!tpu.dma_semaphore, #tpu.memory_space<semaphore_mem>>)
      %dma_wait3A = arith.constant 0 : i32
      %dma_wait3A_77 = arith.constant 0 : i32
      %dma_wait3A_78 = tpu.memref_slice %arg2[%dma_wait3A, %dma_wait3A_77] : memref<10000x128xf32, #tpu.memory_space<hbm>> -> memref<10000x128xf32, #tpu.memory_space<hbm>>
      tpu.wait_indirect_dma semaphore(%arg11 : memref<!tpu.dma_semaphore, #tpu.memory_space<semaphore_mem>>) src(%dma_wait3A_78 : memref<10000x128xf32, #tpu.memory_space<hbm>>) dst(%arg8 : memref<80x128xf32, #tpu.memory_space<vmem>>)
      "tpu.region"() ({
        %run_scoped3A = tpu.sem_alloc : memref<!tpu.dma_semaphore, #tpu.memory_space<semaphore_mem>>
        %dma_start3A_79 = arith.constant 0 : i32
        %dma_start3A_80 = arith.constant 0 : i32
        %dma_start3A_81 = tpu.memref_slice %arg10[%dma_start3A_79, %dma_start3A_80] : memref<10000x128xf32, #tpu.memory_space<vmem_shared>> -> memref<10000x128xf32, #tpu.memory_space<vmem_shared>>
        tpu.enqueue_indirect_dma source(%arg8 : memref<80x128xf32, #tpu.memory_space<vmem>>) target(%dma_start3A_81 : memref<10000x128xf32, #tpu.memory_space<vmem_shared>>) offsets(%arg7 : memref<80xi32, #tpu.memory_space<vmem>>) semaphore(%run_scoped3A : memref<!tpu.dma_semaphore, #tpu.memory_space<semaphore_mem>>) {add = true}
        %dma_wait3A_82 = arith.constant 0 : i32
        %dma_wait3A_83 = arith.constant 0 : i32
        %dma_wait3A_84 = tpu.memref_slice %arg10[%dma_wait3A_82, %dma_wait3A_83] : memref<10000x128xf32, #tpu.memory_space<vmem_shared>> -> memref<10000x128xf32, #tpu.memory_space<vmem_shared>>
        tpu.wait_indirect_dma semaphore(%run_scoped3A : memref<!tpu.dma_semaphore, #tpu.memory_space<semaphore_mem>>) src(%arg8 : memref<80x128xf32, #tpu.memory_space<vmem>>) dst(%dma_wait3A_84 : memref<10000x128xf32, #tpu.memory_space<vmem_shared>>)
        tpu.yield
      }) : () -> ()
    }
    %scan3A_38 = arith.constant 125 : i32
    %barrier3A_39 = arith.constant 0 : index
    tpu.barrier barrier_id(%barrier3A_39)
    %add3A_40 = arith.constant 0 : i32
    %add3A_41 = arith.addi %arg1, %add3A_40 : i32
    %lt3A_42 = arith.constant 50 : i32
    %lt3A_43 = arith.cmpi slt, %add3A_41, %lt3A_42 : i32
    %convert_element_type3A_44 = arith.extui %lt3A_43 : i1 to i32
    %cond3A_45 = arith.constant 0 : i32
    %cond3A_46 = arith.cmpi ne, %convert_element_type3A_44, %cond3A_45 : i32
    scf.if %cond3A_46 {
      %mul3A_68 = arith.constant 200 : i32
      %mul3A_69 = arith.muli %add3A_41, %mul3A_68 : i32
      %multiple_of3A = tpu.assume_multiple %mul3A_69, 8 : i32
      "tpu.region"() ({
        %run_scoped3A = tpu.sem_alloc : memref<!tpu.dma_semaphore, #tpu.memory_space<semaphore_mem>>
        %dma_start3A = arith.constant 0 : i32
        %dma_start3A_70 = tpu.memref_slice %arg10[%multiple_of3A, %dma_start3A] : memref<10000x128xf32, #tpu.memory_space<vmem_shared>> -> memref<200x128xf32, #tpu.memory_space<vmem_shared>>
        %dma_start3A_71 = arith.constant 0 : i32
        %dma_start3A_72 = tpu.memref_slice %arg10[%multiple_of3A, %dma_start3A_71] : memref<10000x128xf32, #tpu.memory_space<vmem_shared>> -> memref<200x128xf32, #tpu.memory_space<vmem_shared>>
        tpu.enqueue_dma source(%dma_start3A_72 : memref<200x128xf32, #tpu.memory_space<vmem_shared>>) target(%arg9 : memref<200x128xf32, #tpu.memory_space<vmem>>) target_semaphore(%run_scoped3A : memref<!tpu.dma_semaphore, #tpu.memory_space<semaphore_mem>>)
        %dma_wait3A = arith.constant 0 : i32
        %dma_wait3A_73 = tpu.memref_slice %arg10[%multiple_of3A, %dma_wait3A] : memref<10000x128xf32, #tpu.memory_space<vmem_shared>> -> memref<200x128xf32, #tpu.memory_space<vmem_shared>>
        %dma_wait3A_74 = arith.constant 0 : i32
        %dma_wait3A_75 = tpu.memref_slice %arg10[%multiple_of3A, %dma_wait3A_74] : memref<10000x128xf32, #tpu.memory_space<vmem_shared>> -> memref<200x128xf32, #tpu.memory_space<vmem_shared>>
        tpu.wait_dma2 semaphore(%run_scoped3A : memref<!tpu.dma_semaphore, #tpu.memory_space<semaphore_mem>>) src(%dma_wait3A_75 : memref<200x128xf32, #tpu.memory_space<vmem_shared>>) dst(%arg9 : memref<200x128xf32, #tpu.memory_space<vmem>>)
        tpu.yield
      }) : () -> ()
      "tpu.region"() ({
        %run_scoped3A = tpu.sem_alloc : memref<!tpu.dma_semaphore, #tpu.memory_space<semaphore_mem>>
        %dma_start3A = arith.constant 0 : i32
        %dma_start3A_70 = tpu.memref_slice %arg5[%arg0, %multiple_of3A, %dma_start3A] : memref<2x10000x128xf32, #tpu.memory_space<hbm>> -> memref<1x200x128xf32, #tpu.memory_space<hbm>>
        %dma_start3A_71 = tpu.memref_squeeze %dma_start3A_70 : memref<1x200x128xf32, #tpu.memory_space<hbm>> -> memref<200x128xf32, #tpu.memory_space<hbm>>
        %dma_start3A_72 = arith.constant 0 : i32
        %dma_start3A_73 = tpu.memref_slice %arg5[%arg0, %multiple_of3A, %dma_start3A_72] : memref<2x10000x128xf32, #tpu.memory_space<hbm>> -> memref<1x200x128xf32, #tpu.memory_space<hbm>>
        %dma_start3A_74 = tpu.memref_squeeze %dma_start3A_73 : memref<1x200x128xf32, #tpu.memory_space<hbm>> -> memref<200x128xf32, #tpu.memory_space<hbm>>
        tpu.enqueue_dma source(%arg9 : memref<200x128xf32, #tpu.memory_space<vmem>>) target(%dma_start3A_74 : memref<200x128xf32, #tpu.memory_space<hbm>>) target_semaphore(%run_scoped3A : memref<!tpu.dma_semaphore, #tpu.memory_space<semaphore_mem>>)
        %dma_wait3A = arith.constant 0 : i32
        %dma_wait3A_75 = tpu.memref_slice %arg5[%arg0, %multiple_of3A, %dma_wait3A] : memref<2x10000x128xf32, #tpu.memory_space<hbm>> -> memref<1x200x128xf32, #tpu.memory_space<hbm>>
        %dma_wait3A_76 = tpu.memref_squeeze %dma_wait3A_75 : memref<1x200x128xf32, #tpu.memory_space<hbm>> -> memref<200x128xf32, #tpu.memory_space<hbm>>
        %dma_wait3A_77 = arith.constant 0 : i32
        %dma_wait3A_78 = tpu.memref_slice %arg5[%arg0, %multiple_of3A, %dma_wait3A_77] : memref<2x10000x128xf32, #tpu.memory_space<hbm>> -> memref<1x200x128xf32, #tpu.memory_space<hbm>>
        %dma_wait3A_79 = tpu.memref_squeeze %dma_wait3A_78 : memref<1x200x128xf32, #tpu.memory_space<hbm>> -> memref<200x128xf32, #tpu.memory_space<hbm>>
        tpu.wait_dma2 semaphore(%run_scoped3A : memref<!tpu.dma_semaphore, #tpu.memory_space<semaphore_mem>>) src(%arg9 : memref<200x128xf32, #tpu.memory_space<vmem>>) dst(%dma_wait3A_79 : memref<200x128xf32, #tpu.memory_space<hbm>>)
        tpu.yield
      }) : () -> ()
    } else {
    }
    %add3A_47 = arith.constant 16 : i32
    %add3A_48 = arith.addi %arg1, %add3A_47 : i32
    %lt3A_49 = arith.constant 50 : i32
    %lt3A_50 = arith.cmpi slt, %add3A_48, %lt3A_49 : i32
    %convert_element_type3A_51 = arith.extui %lt3A_50 : i1 to i32
    %cond3A_52 = arith.constant 0 : i32
    %cond3A_53 = arith.cmpi ne, %convert_element_type3A_51, %cond3A_52 : i32
    scf.if %cond3A_53 {
      %mul3A_68 = arith.constant 200 : i32
      %mul3A_69 = arith.muli %add3A_48, %mul3A_68 : i32
      %multiple_of3A = tpu.assume_multiple %mul3A_69, 8 : i32
      "tpu.region"() ({
        %run_scoped3A = tpu.sem_alloc : memref<!tpu.dma_semaphore, #tpu.memory_space<semaphore_mem>>
        %dma_start3A = arith.constant 0 : i32
        %dma_start3A_70 = tpu.memref_slice %arg10[%multiple_of3A, %dma_start3A] : memref<10000x128xf32, #tpu.memory_space<vmem_shared>> -> memref<200x128xf32, #tpu.memory_space<vmem_shared>>
        %dma_start3A_71 = arith.constant 0 : i32
        %dma_start3A_72 = tpu.memref_slice %arg10[%multiple_of3A, %dma_start3A_71] : memref<10000x128xf32, #tpu.memory_space<vmem_shared>> -> memref<200x128xf32, #tpu.memory_space<vmem_shared>>
        tpu.enqueue_dma source(%dma_start3A_72 : memref<200x128xf32, #tpu.memory_space<vmem_shared>>) target(%arg9 : memref<200x128xf32, #tpu.memory_space<vmem>>) target_semaphore(%run_scoped3A : memref<!tpu.dma_semaphore, #tpu.memory_space<semaphore_mem>>)
        %dma_wait3A = arith.constant 0 : i32
        %dma_wait3A_73 = tpu.memref_slice %arg10[%multiple_of3A, %dma_wait3A] : memref<10000x128xf32, #tpu.memory_space<vmem_shared>> -> memref<200x128xf32, #tpu.memory_space<vmem_shared>>
        %dma_wait3A_74 = arith.constant 0 : i32
        %dma_wait3A_75 = tpu.memref_slice %arg10[%multiple_of3A, %dma_wait3A_74] : memref<10000x128xf32, #tpu.memory_space<vmem_shared>> -> memref<200x128xf32, #tpu.memory_space<vmem_shared>>
        tpu.wait_dma2 semaphore(%run_scoped3A : memref<!tpu.dma_semaphore, #tpu.memory_space<semaphore_mem>>) src(%dma_wait3A_75 : memref<200x128xf32, #tpu.memory_space<vmem_shared>>) dst(%arg9 : memref<200x128xf32, #tpu.memory_space<vmem>>)
        tpu.yield
      }) : () -> ()
      "tpu.region"() ({
        %run_scoped3A = tpu.sem_alloc : memref<!tpu.dma_semaphore, #tpu.memory_space<semaphore_mem>>
        %dma_start3A = arith.constant 0 : i32
        %dma_start3A_70 = tpu.memref_slice %arg5[%arg0, %multiple_of3A, %dma_start3A] : memref<2x10000x128xf32, #tpu.memory_space<hbm>> -> memref<1x200x128xf32, #tpu.memory_space<hbm>>
        %dma_start3A_71 = tpu.memref_squeeze %dma_start3A_70 : memref<1x200x128xf32, #tpu.memory_space<hbm>> -> memref<200x128xf32, #tpu.memory_space<hbm>>
        %dma_start3A_72 = arith.constant 0 : i32
        %dma_start3A_73 = tpu.memref_slice %arg5[%arg0, %multiple_of3A, %dma_start3A_72] : memref<2x10000x128xf32, #tpu.memory_space<hbm>> -> memref<1x200x128xf32, #tpu.memory_space<hbm>>
        %dma_start3A_74 = tpu.memref_squeeze %dma_start3A_73 : memref<1x200x128xf32, #tpu.memory_space<hbm>> -> memref<200x128xf32, #tpu.memory_space<hbm>>
        tpu.enqueue_dma source(%arg9 : memref<200x128xf32, #tpu.memory_space<vmem>>) target(%dma_start3A_74 : memref<200x128xf32, #tpu.memory_space<hbm>>) target_semaphore(%run_scoped3A : memref<!tpu.dma_semaphore, #tpu.memory_space<semaphore_mem>>)
        %dma_wait3A = arith.constant 0 : i32
        %dma_wait3A_75 = tpu.memref_slice %arg5[%arg0, %multiple_of3A, %dma_wait3A] : memref<2x10000x128xf32, #tpu.memory_space<hbm>> -> memref<1x200x128xf32, #tpu.memory_space<hbm>>
        %dma_wait3A_76 = tpu.memref_squeeze %dma_wait3A_75 : memref<1x200x128xf32, #tpu.memory_space<hbm>> -> memref<200x128xf32, #tpu.memory_space<hbm>>
        %dma_wait3A_77 = arith.constant 0 : i32
        %dma_wait3A_78 = tpu.memref_slice %arg5[%arg0, %multiple_of3A, %dma_wait3A_77] : memref<2x10000x128xf32, #tpu.memory_space<hbm>> -> memref<1x200x128xf32, #tpu.memory_space<hbm>>
        %dma_wait3A_79 = tpu.memref_squeeze %dma_wait3A_78 : memref<1x200x128xf32, #tpu.memory_space<hbm>> -> memref<200x128xf32, #tpu.memory_space<hbm>>
        tpu.wait_dma2 semaphore(%run_scoped3A : memref<!tpu.dma_semaphore, #tpu.memory_space<semaphore_mem>>) src(%arg9 : memref<200x128xf32, #tpu.memory_space<vmem>>) dst(%dma_wait3A_79 : memref<200x128xf32, #tpu.memory_space<hbm>>)
        tpu.yield
      }) : () -> ()
    } else {
    }
    %add3A_54 = arith.constant 32 : i32
    %add3A_55 = arith.addi %arg1, %add3A_54 : i32
    %lt3A_56 = arith.constant 50 : i32
    %lt3A_57 = arith.cmpi slt, %add3A_55, %lt3A_56 : i32
    %convert_element_type3A_58 = arith.extui %lt3A_57 : i1 to i32
    %cond3A_59 = arith.constant 0 : i32
    %cond3A_60 = arith.cmpi ne, %convert_element_type3A_58, %cond3A_59 : i32
    scf.if %cond3A_60 {
      %mul3A_68 = arith.constant 200 : i32
      %mul3A_69 = arith.muli %add3A_55, %mul3A_68 : i32
      %multiple_of3A = tpu.assume_multiple %mul3A_69, 8 : i32
      "tpu.region"() ({
        %run_scoped3A = tpu.sem_alloc : memref<!tpu.dma_semaphore, #tpu.memory_space<semaphore_mem>>
        %dma_start3A = arith.constant 0 : i32
        %dma_start3A_70 = tpu.memref_slice %arg10[%multiple_of3A, %dma_start3A] : memref<10000x128xf32, #tpu.memory_space<vmem_shared>> -> memref<200x128xf32, #tpu.memory_space<vmem_shared>>
        %dma_start3A_71 = arith.constant 0 : i32
        %dma_start3A_72 = tpu.memref_slice %arg10[%multiple_of3A, %dma_start3A_71] : memref<10000x128xf32, #tpu.memory_space<vmem_shared>> -> memref<200x128xf32, #tpu.memory_space<vmem_shared>>
        tpu.enqueue_dma source(%dma_start3A_72 : memref<200x128xf32, #tpu.memory_space<vmem_shared>>) target(%arg9 : memref<200x128xf32, #tpu.memory_space<vmem>>) target_semaphore(%run_scoped3A : memref<!tpu.dma_semaphore, #tpu.memory_space<semaphore_mem>>)
        %dma_wait3A = arith.constant 0 : i32
        %dma_wait3A_73 = tpu.memref_slice %arg10[%multiple_of3A, %dma_wait3A] : memref<10000x128xf32, #tpu.memory_space<vmem_shared>> -> memref<200x128xf32, #tpu.memory_space<vmem_shared>>
        %dma_wait3A_74 = arith.constant 0 : i32
        %dma_wait3A_75 = tpu.memref_slice %arg10[%multiple_of3A, %dma_wait3A_74] : memref<10000x128xf32, #tpu.memory_space<vmem_shared>> -> memref<200x128xf32, #tpu.memory_space<vmem_shared>>
        tpu.wait_dma2 semaphore(%run_scoped3A : memref<!tpu.dma_semaphore, #tpu.memory_space<semaphore_mem>>) src(%dma_wait3A_75 : memref<200x128xf32, #tpu.memory_space<vmem_shared>>) dst(%arg9 : memref<200x128xf32, #tpu.memory_space<vmem>>)
        tpu.yield
      }) : () -> ()
      "tpu.region"() ({
        %run_scoped3A = tpu.sem_alloc : memref<!tpu.dma_semaphore, #tpu.memory_space<semaphore_mem>>
        %dma_start3A = arith.constant 0 : i32
        %dma_start3A_70 = tpu.memref_slice %arg5[%arg0, %multiple_of3A, %dma_start3A] : memref<2x10000x128xf32, #tpu.memory_space<hbm>> -> memref<1x200x128xf32, #tpu.memory_space<hbm>>
        %dma_start3A_71 = tpu.memref_squeeze %dma_start3A_70 : memref<1x200x128xf32, #tpu.memory_space<hbm>> -> memref<200x128xf32, #tpu.memory_space<hbm>>
        %dma_start3A_72 = arith.constant 0 : i32
        %dma_start3A_73 = tpu.memref_slice %arg5[%arg0, %multiple_of3A, %dma_start3A_72] : memref<2x10000x128xf32, #tpu.memory_space<hbm>> -> memref<1x200x128xf32, #tpu.memory_space<hbm>>
        %dma_start3A_74 = tpu.memref_squeeze %dma_start3A_73 : memref<1x200x128xf32, #tpu.memory_space<hbm>> -> memref<200x128xf32, #tpu.memory_space<hbm>>
        tpu.enqueue_dma source(%arg9 : memref<200x128xf32, #tpu.memory_space<vmem>>) target(%dma_start3A_74 : memref<200x128xf32, #tpu.memory_space<hbm>>) target_semaphore(%run_scoped3A : memref<!tpu.dma_semaphore, #tpu.memory_space<semaphore_mem>>)
        %dma_wait3A = arith.constant 0 : i32
        %dma_wait3A_75 = tpu.memref_slice %arg5[%arg0, %multiple_of3A, %dma_wait3A] : memref<2x10000x128xf32, #tpu.memory_space<hbm>> -> memref<1x200x128xf32, #tpu.memory_space<hbm>>
        %dma_wait3A_76 = tpu.memref_squeeze %dma_wait3A_75 : memref<1x200x128xf32, #tpu.memory_space<hbm>> -> memref<200x128xf32, #tpu.memory_space<hbm>>
        %dma_wait3A_77 = arith.constant 0 : i32
        %dma_wait3A_78 = tpu.memref_slice %arg5[%arg0, %multiple_of3A, %dma_wait3A_77] : memref<2x10000x128xf32, #tpu.memory_space<hbm>> -> memref<1x200x128xf32, #tpu.memory_space<hbm>>
        %dma_wait3A_79 = tpu.memref_squeeze %dma_wait3A_78 : memref<1x200x128xf32, #tpu.memory_space<hbm>> -> memref<200x128xf32, #tpu.memory_space<hbm>>
        tpu.wait_dma2 semaphore(%run_scoped3A : memref<!tpu.dma_semaphore, #tpu.memory_space<semaphore_mem>>) src(%arg9 : memref<200x128xf32, #tpu.memory_space<vmem>>) dst(%dma_wait3A_79 : memref<200x128xf32, #tpu.memory_space<hbm>>)
        tpu.yield
      }) : () -> ()
    } else {
    }
    %add3A_61 = arith.constant 48 : i32
    %add3A_62 = arith.addi %arg1, %add3A_61 : i32
    %lt3A_63 = arith.constant 50 : i32
    %lt3A_64 = arith.cmpi slt, %add3A_62, %lt3A_63 : i32
    %convert_element_type3A_65 = arith.extui %lt3A_64 : i1 to i32
    %cond3A_66 = arith.constant 0 : i32
    %cond3A_67 = arith.cmpi ne, %convert_element_type3A_65, %cond3A_66 : i32
    scf.if %cond3A_67 {
      %mul3A_68 = arith.constant 200 : i32
      %mul3A_69 = arith.muli %add3A_62, %mul3A_68 : i32
      %multiple_of3A = tpu.assume_multiple %mul3A_69, 8 : i32
      "tpu.region"() ({
        %run_scoped3A = tpu.sem_alloc : memref<!tpu.dma_semaphore, #tpu.memory_space<semaphore_mem>>
        %dma_start3A = arith.constant 0 : i32
        %dma_start3A_70 = tpu.memref_slice %arg10[%multiple_of3A, %dma_start3A] : memref<10000x128xf32, #tpu.memory_space<vmem_shared>> -> memref<200x128xf32, #tpu.memory_space<vmem_shared>>
        %dma_start3A_71 = arith.constant 0 : i32
        %dma_start3A_72 = tpu.memref_slice %arg10[%multiple_of3A, %dma_start3A_71] : memref<10000x128xf32, #tpu.memory_space<vmem_shared>> -> memref<200x128xf32, #tpu.memory_space<vmem_shared>>
        tpu.enqueue_dma source(%dma_start3A_72 : memref<200x128xf32, #tpu.memory_space<vmem_shared>>) target(%arg9 : memref<200x128xf32, #tpu.memory_space<vmem>>) target_semaphore(%run_scoped3A : memref<!tpu.dma_semaphore, #tpu.memory_space<semaphore_mem>>)
        %dma_wait3A = arith.constant 0 : i32
        %dma_wait3A_73 = tpu.memref_slice %arg10[%multiple_of3A, %dma_wait3A] : memref<10000x128xf32, #tpu.memory_space<vmem_shared>> -> memref<200x128xf32, #tpu.memory_space<vmem_shared>>
        %dma_wait3A_74 = arith.constant 0 : i32
        %dma_wait3A_75 = tpu.memref_slice %arg10[%multiple_of3A, %dma_wait3A_74] : memref<10000x128xf32, #tpu.memory_space<vmem_shared>> -> memref<200x128xf32, #tpu.memory_space<vmem_shared>>
        tpu.wait_dma2 semaphore(%run_scoped3A : memref<!tpu.dma_semaphore, #tpu.memory_space<semaphore_mem>>) src(%dma_wait3A_75 : memref<200x128xf32, #tpu.memory_space<vmem_shared>>) dst(%arg9 : memref<200x128xf32, #tpu.memory_space<vmem>>)
        tpu.yield
      }) : () -> ()
      "tpu.region"() ({
        %run_scoped3A = tpu.sem_alloc : memref<!tpu.dma_semaphore, #tpu.memory_space<semaphore_mem>>
        %dma_start3A = arith.constant 0 : i32
        %dma_start3A_70 = tpu.memref_slice %arg5[%arg0, %multiple_of3A, %dma_start3A] : memref<2x10000x128xf32, #tpu.memory_space<hbm>> -> memref<1x200x128xf32, #tpu.memory_space<hbm>>
        %dma_start3A_71 = tpu.memref_squeeze %dma_start3A_70 : memref<1x200x128xf32, #tpu.memory_space<hbm>> -> memref<200x128xf32, #tpu.memory_space<hbm>>
        %dma_start3A_72 = arith.constant 0 : i32
        %dma_start3A_73 = tpu.memref_slice %arg5[%arg0, %multiple_of3A, %dma_start3A_72] : memref<2x10000x128xf32, #tpu.memory_space<hbm>> -> memref<1x200x128xf32, #tpu.memory_space<hbm>>
        %dma_start3A_74 = tpu.memref_squeeze %dma_start3A_73 : memref<1x200x128xf32, #tpu.memory_space<hbm>> -> memref<200x128xf32, #tpu.memory_space<hbm>>
        tpu.enqueue_dma source(%arg9 : memref<200x128xf32, #tpu.memory_space<vmem>>) target(%dma_start3A_74 : memref<200x128xf32, #tpu.memory_space<hbm>>) target_semaphore(%run_scoped3A : memref<!tpu.dma_semaphore, #tpu.memory_space<semaphore_mem>>)
        %dma_wait3A = arith.constant 0 : i32
        %dma_wait3A_75 = tpu.memref_slice %arg5[%arg0, %multiple_of3A, %dma_wait3A] : memref<2x10000x128xf32, #tpu.memory_space<hbm>> -> memref<1x200x128xf32, #tpu.memory_space<hbm>>
        %dma_wait3A_76 = tpu.memref_squeeze %dma_wait3A_75 : memref<1x200x128xf32, #tpu.memory_space<hbm>> -> memref<200x128xf32, #tpu.memory_space<hbm>>
        %dma_wait3A_77 = arith.constant 0 : i32
        %dma_wait3A_78 = tpu.memref_slice %arg5[%arg0, %multiple_of3A, %dma_wait3A_77] : memref<2x10000x128xf32, #tpu.memory_space<hbm>> -> memref<1x200x128xf32, #tpu.memory_space<hbm>>
        %dma_wait3A_79 = tpu.memref_squeeze %dma_wait3A_78 : memref<1x200x128xf32, #tpu.memory_space<hbm>> -> memref<200x128xf32, #tpu.memory_space<hbm>>
        tpu.wait_dma2 semaphore(%run_scoped3A : memref<!tpu.dma_semaphore, #tpu.memory_space<semaphore_mem>>) src(%arg9 : memref<200x128xf32, #tpu.memory_space<vmem>>) dst(%dma_wait3A_79 : memref<200x128xf32, #tpu.memory_space<hbm>>)
        tpu.yield
      }) : () -> ()
    } else {
    }
    return
  }
}

module attributes {stable_mosaic.version = 14 : i64} {
  func.func @_fin_body(%arg0: memref<2x10000x128xf32, #tpu.memory_space<vmem>>, %arg1: memref<10000x128xf32, #tpu.memory_space<vmem>>, %arg2: memref<10000x1xf32, #tpu.memory_space<vmem>>, %arg3: memref<1x128xf32, #tpu.memory_space<vmem>>, %arg4: memref<10000x128xf32, #tpu.memory_space<vmem>>) attributes {dimension_semantics = [], scalar_prefetch = 0 : i64, scratch_operands = 0 : i64, tpu.core_type = #tpu.core_type<tc>} {
    %get3A = arith.constant 0 : index
    %get3A_0 = arith.constant 0 : index
    %get3A_1 = arith.constant 0 : index
    %get3A_2 = vector.load %arg0[%get3A, %get3A_0, %get3A_1] : memref<2x10000x128xf32, #tpu.memory_space<vmem>>, vector<2x10000x128xf32>
    %slice3A = vector.extract_strided_slice %get3A_2 {offsets = [0, 0, 0], sizes = [1, 10000, 128], strides = [1, 1, 1]} : vector<2x10000x128xf32> to vector<1x10000x128xf32>
    %squeeze3A = vector.shape_cast %slice3A : vector<1x10000x128xf32> to vector<10000x128xf32>
    %slice3A_3 = vector.extract_strided_slice %get3A_2 {offsets = [1, 0, 0], sizes = [1, 10000, 128], strides = [1, 1, 1]} : vector<2x10000x128xf32> to vector<1x10000x128xf32>
    %squeeze3A_4 = vector.shape_cast %slice3A_3 : vector<1x10000x128xf32> to vector<10000x128xf32>
    %add3A = arith.addf %squeeze3A, %squeeze3A_4 : vector<10000x128xf32>
    %get3A_5 = arith.constant 0 : index
    %get3A_6 = arith.constant 0 : index
    %get3A_7 = vector.load %arg1[%get3A_5, %get3A_6] : memref<10000x128xf32, #tpu.memory_space<vmem>>, vector<10000x128xf32>
    %add3A_8 = arith.addf %add3A, %get3A_7 : vector<10000x128xf32>
    %get3A_9 = arith.constant 0 : index
    %get3A_10 = arith.constant 0 : index
    %get3A_11 = vector.load %arg2[%get3A_9, %get3A_10] : memref<10000x1xf32, #tpu.memory_space<vmem>>, vector<10000x1xf32>
    %mul3A = vector.broadcast %get3A_11 : vector<10000x1xf32> to vector<10000x128xf32>
    %mul3A_12 = arith.mulf %add3A_8, %mul3A : vector<10000x128xf32>
    %get3A_13 = arith.constant 0 : index
    %get3A_14 = arith.constant 0 : index
    %get3A_15 = vector.load %arg3[%get3A_13, %get3A_14] : memref<1x128xf32, #tpu.memory_space<vmem>>, vector<1x128xf32>
    %add3A_16 = vector.broadcast %get3A_15 : vector<1x128xf32> to vector<10000x128xf32>
    %add3A_17 = arith.addf %mul3A_12, %add3A_16 : vector<10000x128xf32>
    %swap3A = arith.constant 0 : index
    %swap3A_18 = arith.constant 0 : index
    %swap3A_19 = vector.load %arg4[%swap3A, %swap3A_18] : memref<10000x128xf32, #tpu.memory_space<vmem>>, vector<10000x128xf32>
    tpu.vector_store %arg4[%swap3A, %swap3A_18], %add3A_17 {strides = array<i32>} : memref<10000x128xf32, #tpu.memory_space<vmem>>, vector<10000x128xf32>,
    return
  }
}

module attributes {stable_mosaic.version = 14 : i64} {
  func.func @_prep_body(%arg0: memref<2x10000x16xf32, #tpu.memory_space<vmem>>, %arg1: memref<10000x128xf32, #tpu.memory_space<vmem>>, %arg2: memref<10000x128xf32, #tpu.memory_space<vmem>>, %arg3: memref<10000x1xf32, #tpu.memory_space<vmem>>) attributes {dimension_semantics = [], scalar_prefetch = 0 : i64, scratch_operands = 0 : i64, tpu.core_type = #tpu.core_type<tc>} {
    %get3A = arith.constant 0 : index
    %get3A_0 = arith.constant 0 : index
    %get3A_1 = arith.constant 0 : index
    %get3A_2 = vector.load %arg0[%get3A, %get3A_0, %get3A_1] : memref<2x10000x16xf32, #tpu.memory_space<vmem>>, vector<2x10000x16xf32>
    %slice3A = vector.extract_strided_slice %get3A_2 {offsets = [0, 0, 0], sizes = [1, 10000, 1], strides = [1, 1, 1]} : vector<2x10000x16xf32> to vector<1x10000x1xf32>
    %squeeze3A = vector.shape_cast %slice3A : vector<1x10000x1xf32> to vector<10000x1xf32>
    %slice3A_3 = vector.extract_strided_slice %get3A_2 {offsets = [1, 0, 0], sizes = [1, 10000, 1], strides = [1, 1, 1]} : vector<2x10000x16xf32> to vector<1x10000x1xf32>
    %squeeze3A_4 = vector.shape_cast %slice3A_3 : vector<1x10000x1xf32> to vector<10000x1xf32>
    %add3A = arith.addf %squeeze3A, %squeeze3A_4 : vector<10000x1xf32>
    %add3A_5 = arith.constant 1.000000e+00 : f32
    %add3A_6 = vector.broadcast %add3A_5 : f32 to vector<10000x1xf32>
    %add3A_7 = arith.addf %add3A, %add3A_6 : vector<10000x1xf32>
    %rsqrt3A = math.rsqrt %add3A_7 : vector<10000x1xf32>
    %swap3A = arith.constant 0 : index
    %swap3A_8 = arith.constant 0 : index
    %swap3A_9 = vector.load %arg3[%swap3A, %swap3A_8] : memref<10000x1xf32, #tpu.memory_space<vmem>>, vector<10000x1xf32>
    tpu.vector_store %arg3[%swap3A, %swap3A_8], %rsqrt3A {strides = array<i32>} : memref<10000x1xf32, #tpu.memory_space<vmem>>, vector<10000x1xf32>,
    %get3A_10 = arith.constant 0 : index
    %get3A_11 = arith.constant 0 : index
    %get3A_12 = vector.load %arg1[%get3A_10, %get3A_11] : memref<10000x128xf32, #tpu.memory_space<vmem>>, vector<10000x128xf32>
    %mul3A = vector.broadcast %rsqrt3A : vector<10000x1xf32> to vector<10000x128xf32>
    %mul3A_13 = arith.mulf %get3A_12, %mul3A : vector<10000x128xf32>
    %swap3A_14 = arith.constant 0 : index
    %swap3A_15 = arith.constant 0 : index
    %swap3A_16 = vector.load %arg2[%swap3A_14, %swap3A_15] : memref<10000x128xf32, #tpu.memory_space<vmem>>, vector<10000x128xf32>
    tpu.vector_store %arg2[%swap3A_14, %swap3A_15], %mul3A_13 {strides = array<i32>} : memref<10000x128xf32, #tpu.memory_space<vmem>>, vector<10000x128xf32>,
    return
  }
}

module attributes {stable_mosaic.version = 14 : i64} {
  func.func @_mid_body(%arg0: memref<2x10000x128xf32, #tpu.memory_space<vmem>>, %arg1: memref<10000x128xf32, #tpu.memory_space<vmem>>, %arg2: memref<10000x1xf32, #tpu.memory_space<vmem>>, %arg3: memref<128x256xf32, #tpu.memory_space<vmem>>, %arg4: memref<1x256xf32, #tpu.memory_space<vmem>>, %arg5: memref<1x256xf32, #tpu.memory_space<vmem>>, %arg6: memref<1x256xf32, #tpu.memory_space<vmem>>, %arg7: memref<256x128xf32, #tpu.memory_space<vmem>>, %arg8: memref<10000x128xf32, #tpu.memory_space<vmem>>) attributes {dimension_semantics = [], scalar_prefetch = 0 : i64, scratch_operands = 0 : i64, tpu.core_type = #tpu.core_type<tc>} {
    %get3A = arith.constant 0 : index
    %get3A_0 = arith.constant 0 : index
    %get3A_1 = arith.constant 0 : index
    %get3A_2 = vector.load %arg0[%get3A, %get3A_0, %get3A_1] : memref<2x10000x128xf32, #tpu.memory_space<vmem>>, vector<2x10000x128xf32>
    %get3A_3 = arith.constant 0 : index
    %get3A_4 = arith.constant 0 : index
    %get3A_5 = vector.load %arg2[%get3A_3, %get3A_4] : memref<10000x1xf32, #tpu.memory_space<vmem>>, vector<10000x1xf32>
    %slice3A = vector.extract_strided_slice %get3A_2 {offsets = [0, 0, 0], sizes = [1, 10000, 128], strides = [1, 1, 1]} : vector<2x10000x128xf32> to vector<1x10000x128xf32>
    %squeeze3A = vector.shape_cast %slice3A : vector<1x10000x128xf32> to vector<10000x128xf32>
    %slice3A_6 = vector.extract_strided_slice %get3A_2 {offsets = [1, 0, 0], sizes = [1, 10000, 128], strides = [1, 1, 1]} : vector<2x10000x128xf32> to vector<1x10000x128xf32>
    %squeeze3A_7 = vector.shape_cast %slice3A_6 : vector<1x10000x128xf32> to vector<10000x128xf32>
    %add3A = arith.addf %squeeze3A, %squeeze3A_7 : vector<10000x128xf32>
    %get3A_8 = arith.constant 0 : index
    %get3A_9 = arith.constant 0 : index
    %get3A_10 = vector.load %arg1[%get3A_8, %get3A_9] : memref<10000x128xf32, #tpu.memory_space<vmem>>, vector<10000x128xf32>
    %add3A_11 = arith.addf %add3A, %get3A_10 : vector<10000x128xf32>
    %mul3A = vector.broadcast %get3A_5 : vector<10000x1xf32> to vector<10000x128xf32>
    %mul3A_12 = arith.mulf %add3A_11, %mul3A : vector<10000x128xf32>
    %get3A_13 = arith.constant 0 : index
    %get3A_14 = arith.constant 0 : index
    %get3A_15 = vector.load %arg3[%get3A_13, %get3A_14] : memref<128x256xf32, #tpu.memory_space<vmem>>, vector<128x256xf32>
    %dot_general3A = arith.constant dense<0.000000e+00> : vector<10000x256xf32>
    %dot_general3A_16 = tpu.matmul %mul3A_12, %get3A_15, %dot_general3A {dimension_numbers = #tpu.dot_dimension_numbers<[1], [0], [0], [1], [0, 0, 1, 1], [], []>, transpose_lhs_hint = false} : vector<10000x128xf32>, vector<128x256xf32>, vector<10000x256xf32> -> vector<10000x256xf32>
    %get3A_17 = arith.constant 0 : index
    %get3A_18 = arith.constant 0 : index
    %get3A_19 = vector.load %arg4[%get3A_17, %get3A_18] : memref<1x256xf32, #tpu.memory_space<vmem>>, vector<1x256xf32>
    %add3A_20 = vector.broadcast %get3A_19 : vector<1x256xf32> to vector<10000x256xf32>
    %add3A_21 = arith.addf %dot_general3A_16, %add3A_20 : vector<10000x256xf32>
    %reduce_sum3A = arith.constant dense<0.000000e+00> : vector<256xf32>
    %reduce_sum3A_22 = vector.multi_reduction <add>, %add3A_21, %reduce_sum3A [0] : vector<10000x256xf32> to vector<256xf32>
    %broadcast_in_dim3A = vector.shape_cast %reduce_sum3A_22 : vector<256xf32> to vector<1x256xf32>
    %div3A = arith.constant 1.000000e+04 : f32
    %div3A_23 = vector.broadcast %div3A : f32 to vector<1x256xf32>
    %div3A_24 = arith.divf %broadcast_in_dim3A, %div3A_23 : vector<1x256xf32>
    %sub3A = vector.broadcast %div3A_24 : vector<1x256xf32> to vector<10000x256xf32>
    %sub3A_25 = arith.subf %add3A_21, %sub3A : vector<10000x256xf32>
    %integer_pow3A = arith.mulf %sub3A_25, %sub3A_25 : vector<10000x256xf32>
    %reduce_sum3A_26 = arith.constant dense<0.000000e+00> : vector<256xf32>
    %reduce_sum3A_27 = vector.multi_reduction <add>, %integer_pow3A, %reduce_sum3A_26 [0] : vector<10000x256xf32> to vector<256xf32>
    %broadcast_in_dim3A_28 = vector.shape_cast %reduce_sum3A_27 : vector<256xf32> to vector<1x256xf32>
    %div3A_29 = arith.constant 1.000000e+04 : f32
    %div3A_30 = vector.broadcast %div3A_29 : f32 to vector<1x256xf32>
    %div3A_31 = arith.divf %broadcast_in_dim3A_28, %div3A_30 : vector<1x256xf32>
    %sub3A_32 = vector.broadcast %div3A_24 : vector<1x256xf32> to vector<10000x256xf32>
    %sub3A_33 = arith.subf %add3A_21, %sub3A_32 : vector<10000x256xf32>
    %add3A_34 = arith.constant 9.99999974E-6 : f32
    %add3A_35 = vector.broadcast %add3A_34 : f32 to vector<1x256xf32>
    %add3A_36 = arith.addf %div3A_31, %add3A_35 : vector<1x256xf32>
    %rsqrt3A = math.rsqrt %add3A_36 : vector<1x256xf32>
    %mul3A_37 = vector.broadcast %rsqrt3A : vector<1x256xf32> to vector<10000x256xf32>
    %mul3A_38 = arith.mulf %sub3A_33, %mul3A_37 : vector<10000x256xf32>
    %get3A_39 = arith.constant 0 : index
    %get3A_40 = arith.constant 0 : index
    %get3A_41 = vector.load %arg5[%get3A_39, %get3A_40] : memref<1x256xf32, #tpu.memory_space<vmem>>, vector<1x256xf32>
    %mul3A_42 = vector.broadcast %get3A_41 : vector<1x256xf32> to vector<10000x256xf32>
    %mul3A_43 = arith.mulf %mul3A_38, %mul3A_42 : vector<10000x256xf32>
    %get3A_44 = arith.constant 0 : index
    %get3A_45 = arith.constant 0 : index
    %get3A_46 = vector.load %arg6[%get3A_44, %get3A_45] : memref<1x256xf32, #tpu.memory_space<vmem>>, vector<1x256xf32>
    %add3A_47 = vector.broadcast %get3A_46 : vector<1x256xf32> to vector<10000x256xf32>
    %add3A_48 = arith.addf %mul3A_43, %add3A_47 : vector<10000x256xf32>
    %max3A = arith.constant 0.000000e+00 : f32
    %max3A_49 = vector.broadcast %max3A : f32 to vector<10000x256xf32>
    %max3A_50 = arith.maximumf %add3A_48, %max3A_49 : vector<10000x256xf32>
    %get3A_51 = arith.constant 0 : index
    %get3A_52 = arith.constant 0 : index
    %get3A_53 = vector.load %arg7[%get3A_51, %get3A_52] : memref<256x128xf32, #tpu.memory_space<vmem>>, vector<256x128xf32>
    %dot_general3A_54 = arith.constant dense<0.000000e+00> : vector<10000x128xf32>
    %dot_general3A_55 = tpu.matmul %max3A_50, %get3A_53, %dot_general3A_54 {dimension_numbers = #tpu.dot_dimension_numbers<[1], [0], [0], [1], [0, 0, 1, 1], [], []>, transpose_lhs_hint = false} : vector<10000x256xf32>, vector<256x128xf32>, vector<10000x128xf32> -> vector<10000x128xf32>
    %mul3A_56 = vector.broadcast %get3A_5 : vector<10000x1xf32> to vector<10000x128xf32>
    %mul3A_57 = arith.mulf %dot_general3A_55, %mul3A_56 : vector<10000x128xf32>
    %swap3A = arith.constant 0 : index
    %swap3A_58 = arith.constant 0 : index
    %swap3A_59 = vector.load %arg8[%swap3A, %swap3A_58] : memref<10000x128xf32, #tpu.memory_space<vmem>>, vector<10000x128xf32>
    tpu.vector_store %arg8[%swap3A, %swap3A_58], %mul3A_57 {strides = array<i32>} : memref<10000x128xf32, #tpu.memory_space<vmem>>, vector<10000x128xf32>,
    return
  }
}

</mosaic_0001>

<sc_bundles>
// kernel: kernel.11.cloned.1.call-start
scs
__scs_entry_jumppad:
0x0: {  	(pc) =	sbr.rel $0x88, $3  }
0x1: {  	(tag) =	ssettag $0x0;
	lr =	simm.s32 $0x1  }
0x2: {  	[smem:$0x3F99] =	sst lr;
	_ =	strace $0xD0000000  }
0x3: {  	_ = 	snop  }
0x4: {  	_ = 	snop  }
0x5: {  	_ = 	snop  }
0x6: {  	_ = 	snop  }
0x7: {  	_ = 	snop  }
__scs_overlays_trampoline_lowered:
0x8: {  	[smem:$0x3FA8] =	sst s0  }
0x9: {  	[smem:$0x3FA9] =	sst s1  }
0xa: {  	[smem:$0x3FAA] =	sst s2  }
0xb: {  	[smem:$0x3FAB] =	sst s3  }
0xc: {  	[smem:$0x3FAC] =	sst s4  }
0xd: {  	[smem:$0x3FAD] =	sst s5  }
0xe: {  	[smem:$0x3FAE] =	sst s6  }
0xf: {  	[smem:$0x3FAF] =	sst s7  }
0x10: {  	[smem:$0x3FB0] =	sst s8  }
0x11: {  	[smem:$0x3FB1] =	sst s9;
	s0 =	simm.s32 @!p0 $0x0  }
0x12: {  	s1 =	sld [smem:$0x3F97];
	s0 =	simm.s32 @p0 $0x1  }
0x13: {  	[smem:$0x3FB2] =	sst s0;
	s0 =	simm.s32 @!p1 $0x0  }
0x14: {  	s2 =	sld [smem:$0x3F96];
	s0 =	simm.s32 @p1 $0x1  }
0x15: {  	[smem:$0x3FB3] =	sst s0;
	s0 =	simm.s32 @!p2 $0x0  }
0x16: {  	s3 =	sld [smem:$0x3FDB];
	s0 =	simm.s32 @p2 $0x1  }
0x17: {  	s4 =	simm.s32 $0x1BF5;
	[smem:$0x3FB5] =	sst s0  }
0x18: {  	s0 =	sld [smem:$0x3F98];
	_ =	swait.ge [sflag:s4], $0x0  }
0x19: {  	s7 =	sld [smem:$0x3F99]  }
0x1a: {  	s8 =	sadd.s32 $0xFFFFE003, lr  }
0x1b: {  	s9 =	sadd.s32 $0xFFFFFEF7, lr;
	s5 =	simm.s32 $0xFFFFFFFF;
	p2 =	slt.u32 s8, $0xFFFFF086  }
0x1c: {  	p1 =	slt.u32 s9, $0xF7A;
	s5 =	simm.s32 @!p2 $0x0  }
0x1d: {  	s5 =	simm.s32 @p1 $0x1;
	p0 =	seq.s32 s7, s2  }
0x1e: {  	s7 =	smul.u32 @!p0 $0xF7A, s2;
	p2 =	seq.s32 @!p0 s5, $0x0  }
0x1f: {  	s9 =	smul.u32 $0xF7A, s1;
	s8 =	simm.s32 @!p0 $0x1BF5;
	p2 =	por !p2, p0  }
0x20: {  	[sflag:s8] =	ssyncset.s32 @!p0 $0xFFFFF086;
	s6 =	sadd.s32 @!p0 s3, s7;
	s7 =	simm.s32 @!p0 $0x108  }
0x21: {  	s3 =	sadd.s32 s3, s9;
	s6 =	sadd.s32 @!p0 $0x88, s6;
	s7 =	simm.s32 @p2 $0x1082  }
0x22: {  	[simem:s7], [sflag:s8] =	dma.local @!p0 [hbm:s6], $0xF7A  }
0x23: {  	s9 =	sor.u32 $0xD0000000, s2;
	s6 =	simm.s32 $0x108;
	_ =	swait.ge @!p0 [sflag:s8], $0x0  }
0x24: {  	s3 =	sadd.s32 $0x88, s3;
	s6 =	simm.s32 @!p1 $0x1082;
	[sflag:s4] =	ssyncset.s32 $0xFFFFF086  }
0x25: {  	[simem:s6], [sflag:s4] =	dma.local [hbm:s3], $0xF7A  }
0x26: {  	[smem:$0x3F99] =	sst s1;
	(tag) =	ssettag s2;
	_ =	strace s9  }
0x27: {  	s1 =	sld [smem:$0x3FA9]  }
0x28: {  	s2 =	sld [smem:$0x3FAA]  }
0x29: {  	s4 =	sld [smem:$0x3FAC]  }
0x2a: {  	p0 =	seq.s32 s5, $0x0;
	s5 =	sld [smem:$0x3FAD]  }
0x2b: {  	s6 =	sld [smem:$0x3FAE]  }
0x2c: {  	s7 =	sld [smem:$0x3FAF]  }
0x2d: {  	s3 =	simm.s32 $0x108;
	s8 =	sld [smem:$0x3FB0]  }
0x2e: {  	s3 =	simm.s32 @!p0 $0x1082;
	s9 =	sld [smem:$0x3FB1]  }
0x2f: {  	lr =	sadd.s32 s0, s3;
	s0 =	sld [smem:$0x3FA8]  }
0x30: {  	s3 =	sld [smem:$0x3FAB]  }
0x31: {  	[smem:$0x3FB4] =	sst s10  }
0x32: {  	s10 =	sld [smem:$0x3FB2];
	_ =	sdelay $0x3  }
0x33: {  	p0 =	seq.s32 s10, $0x1;
	s10 =	sld [smem:$0x3FB4];
	_ =	sdelay $0x3  }
0x34: {  	[smem:$0x3FB4] =	sst s10  }
0x35: {  	s10 =	sld [smem:$0x3FB3];
	_ =	sdelay $0x3  }
0x36: {  	p1 =	seq.s32 s10, $0x1;
	s10 =	sld [smem:$0x3FB4];
	_ =	sdelay $0x3  }
0x37: {  	[smem:$0x3FB4] =	sst s10  }
0x38: {  	s10 =	sld [smem:$0x3FB5]  }
0x39: {  	_ = 	snop;
	(pc) =	sbr.ind lr, $3  }
0x3a: {  	_ = 	snop  }
0x3b: {  	_ = 	snop  }
0x3c: {  	p2 =	seq.s32 s10, $0x1;
	s10 =	sld [smem:$0x3FB4]  }
0x3d: {  	_ =	shalt  }
0x3e: {  	_ =	shalt  }
0x3f: {  	_ =	shalt  }
0x40: {  	_ =	shalt  }
0x41: {  	_ =	shalt  }
0x42: {  	_ =	shalt  }
0x43: {  	_ =	shalt  }
0x44: {  	_ =	shalt  }
0x45: {  	_ =	shalt  }
0x46: {  	_ =	shalt  }
0x47: {  	_ =	shalt  }
0x48: {  	_ =	shalt  }
0x49: {  	_ =	shalt  }
0x4a: {  	_ =	shalt  }
0x4b: {  	_ =	shalt  }
0x4c: {  	_ =	shalt  }
0x4d: {  	_ =	shalt  }
0x4e: {  	_ =	shalt  }
0x4f: {  	_ =	shalt  }
0x50: {  	_ =	shalt  }
0x51: {  	_ =	shalt  }
0x52: {  	_ =	shalt  }
0x53: {  	_ =	shalt  }
0x54: {  	_ =	shalt  }
0x55: {  	_ =	shalt  }
0x56: {  	_ =	shalt  }
0x57: {  	_ =	shalt  }
0x58: {  	_ =	shalt  }
0x59: {  	_ =	shalt  }
0x5a: {  	_ =	shalt  }
0x5b: {  	_ =	shalt  }
0x5c: {  	_ =	shalt  }
0x5d: {  	_ =	shalt  }
0x5e: {  	_ =	shalt  }
0x5f: {  	_ =	shalt  }
0x60: {  	_ =	shalt  }
0x61: {  	_ =	shalt  }
0x62: {  	_ =	shalt  }
0x63: {  	_ =	shalt  }
0x64: {  	_ =	shalt  }
0x65: {  	_ =	shalt  }
0x66: {  	_ =	shalt  }
0x67: {  	_ =	shalt  }
0x68: {  	_ =	shalt  }
0x69: {  	_ =	shalt  }
0x6a: {  	_ =	shalt  }
0x6b: {  	_ =	shalt  }
0x6c: {  	_ =	shalt  }
0x6d: {  	_ =	shalt  }
0x6e: {  	_ =	shalt  }
0x6f: {  	_ =	shalt  }
0x70: {  	_ =	shalt  }
0x71: {  	_ =	shalt  }
0x72: {  	_ =	shalt  }
0x73: {  	_ =	shalt  }
0x74: {  	_ =	shalt  }
0x75: {  	_ =	shalt  }
0x76: {  	_ =	shalt  }
0x77: {  	_ =	shalt  }
0x78: {  	_ =	shalt  }
0x79: {  	_ =	shalt  }
0x7a: {  	_ =	shalt  }
0x7b: {  	_ =	shalt  }
0x7c: {  	_ =	shalt  }
0x7d: {  	_ =	shalt  }
0x7e: {  	_ =	shalt  }
0x7f: {  	_ =	shalt  }
0x80: {  	_ =	shalt  }
0x81: {  	_ =	shalt  }
0x82: {  	_ =	shalt  }
0x83: {  	_ =	shalt  }
0x84: {  	_ =	shalt  }
0x85: {  	_ =	shalt  }
0x86: {  	_ =	shalt  }
0x87: {  	_ =	shalt  }
.Lfunc_end0:
.L_simem_size_0:
called_computation.1_lowered:
.L_overlay_start_0:
0x88: {  	s2 =	sld [smem:$0x3FD9]  }
0x89: {  	s3 =	sld [smem:$0x3FFE];
	_ =	sdelay $0x1  }
0x8a: {  	s1 =	srdreg.scid  }
0x8b: {  	s0 =	sand.u32 $0x1, s1  }
0x8c: {  	s17 =	sshll.u32 s0, $0xA;
	s2 =	sadd.s32 s3, s2  }
0x8d: {  	s2 =	sadd.s32 s2, s17  }
0x8e: {  	[smem:$0x3FC0] =	sst s2  }
0x8f: {  	_ = 	snop  }
0x90: {  	s2 =	sld [smem:$0x3FD0];
	(tm) =	ssettm $0x1  }
0x91: {  	s18 =	sld [smem:$0x3FFB];
	_ =	sdelay $0x3  }
0x92: {  	_ =	strace s18  }
0x93: {  	s3 =	sld [smem:$0x3FFC];
	_ =	sdelay $0x3  }
0x94: {  	_ =	strace s3  }
0x95: {  	s3 =	sld [smem:$0x3FFD];
	_ =	sdelay $0x3  }
0x96: {  	_ =	strace s3  }
0x97: {  	_ =	strace $0x8FFFFFFF  }
0x98: {  	s19 =	sld [smem:$0x3FDB];
	_ =	sdelay $0x1  }
0x99: {  	s4 =	simm.s32 $_scs_section_size  }
0x9a: {  	s5 =	simm.s32 $_size__tile_overlayer_lowered;
	s6 =	simm.s32 $_tile_overlayer_lowered  }
0x9b: {  	s22 =	simm.s32 $0x1BFF;
	s21 =	sshll.u32 s6, $0x1;
	s3 =	sadd.s32 s4, s19  }
0x9c: {  	s7 =	simm.s32 $0x0;
	s20 =	sshll.u32 s5, $0x1;
	s5 =	sadd.s32 s21, s3  }
0x9d: {  	[timem:s7], [sflag:s22] =	dma.local [hbm:s5], s20  }
0x9e: {  	_ =	swait.ge [sflag:s22], s20  }
0x9f: {  	s4 =	ssub.s32 $0x0, s20;
	[sflag:s22] =	ssyncset.done $0x0  }
0xa0: {  	[sflag:s22] =	ssyncadd.s32 s4;
	_ =	sdelay $0x1  }
0xa1: {  	s23 =	simm.s32 $0x1B8B  }
0xa2: {  	_ =	swait.ge [sflag:s23], $0x1  }
0xa3: {  	[sflag:s23] =	ssyncset.done $0x0  }
0xa4: {  	s25 =	simm.s32 $0x1B8E;
	s24 =	sld [smem:$0x3FFE];
	[sflag:s23] =	ssyncadd.s32 $0xFFFFFFFF  }
0xa5: {  	s26 =	simm.s32 $execute0_lowered;
	[smem:$0x3FD2] =	sst s25  }
0xa6: {  	s5 =	sshll.u32 s26, $0x1;
	_ =	strace $0x80000049;
	[dreg:$0x1] =	wrdreg $0xFFFFFFFF  }
0xa7: {  	s28 =	simm.s32 $_size_execute0_lowered;
	s3 =	sadd.s32 s3, s5;
	[dreg:$0x0] =	wrdreg $0x0  }
0xa8: {  	s5 =	sshll.u32 s28, $0x1;
	[dreg:$0x2] =	wrdreg s3  }
0xa9: {  	[dreg:$0x3] =	wrdreg s5  }
0xaa: {  	[dreg:$0x4] =	wrdreg $0xC0  }
0xab: {  	_ =	task [dreg:s7], $0x5FFFF  }
0xac: {  	[dreg:$0x1] =	wrdreg $0xFFFFFFFF  }
0xad: {  	[dreg:$0x0] =	wrdreg $0x60  }
0xae: {  	[dreg:$0x2] =	wrdreg s2  }
0xaf: {  	[dreg:$0x3] =	wrdreg s24  }
0xb0: {  	[dreg:$0x4] =	wrdreg $0x8D000  }
0xb1: {  	[dreg:$0x5] =	wrdreg $0x9  }
0xb2: {  	_ =	task.clear_ibuf [dreg:s7], $0x6FFFF;
	_ =	strace $0x90000049  }
0xb3: {  	s29 =	simm.s32 $0x9;
	_ =	strace $0x8000004B  }
0xb4: {  	_ =	swait.ge [sflag:s29], $0x1  }
0xb5: {  	[sflag:s29] =	ssyncadd.s32 $0xFFFFFFFF  }
0xb6: {  	_ =	strace $0x9000004B  }
0xb7: {  	_ =	sfence  }
0xb8: {  	s30 =	sld [smem:$0x0];
	_ =	sdelay $0x2  }
0xb9: {  	s31 =	sshll.u32 s1, $0xD;
	s1 =	sshrl.u32 s1, $0x2  }
0xba: {  	s3 =	sand.u32 $0x4000, s31;
	s1 =	sadd.s32 s1, s30  }
0xbb: {  	s0 =	sor.u32 s3, s0;
	s1 =	sshll.u32 s1, $0x11  }
0xbc: {  	s0 =	sor.u32 s1, s0  }
0xbd: {  	s0 =	sadd.s32 $0x8F2B, s0  }
0xbe: {  	[sflag:s0] =	ssyncadd.remote.s32 $0x1  }
0xbf: {  	_ =	sfence.sel $0xFFFF  }
0xc0: {  	[dreg:$0x0] =	wrdreg $0xFFFFFFFF;
	(pc) =	sbr.abs _section_cstart, $3  }
0xc1: {  	[dreg:$0x1] =	wrdreg $0xFFFFFFFF  }
0xc2: {  	_ =	task.clear_ibuf [dreg:s7], $0x2FFFF;
	_ =	strace $0x9FFFFFFF  }
0xc3: {  	(tm) =	ssettm $0x7FFFFFFF  }
tec
execute0_lowered:
.L_overlay_start_1:
0x0: {  	(tag) =	ssettag $0x1  }
0x1: {  	s1 =	rddreg [dreg:$0x0];
	s0 =	srdreg.scid  }
0x2: {  	s5 =	rddreg [dreg:$0x1];
	s6 =	sand.u32 $0x1, s0  }
0x3: {  	s0 =	stileid.u32;
	s7 =	smul.u32 $0x27100, s6  }
0x4: {  	s3 =	rddreg [dreg:$0x2];
	s8 =	smul.u32 $0x2710, s0  }
0x5: {  	s2 =	rddreg [dreg:$0x3];
	s4 =	simm.s32 $0x0;
	s22 =	smul.u32 $0x19000, s0  }
0x6: {  	s18 =	simm.s32 $0x80;
	s19 =	simm.s32 $0x50;
	s17 =	smul.u32 $0x138800, s6  }
0x7: {  	s20 =	simm.s32 $0x100;
	s23 =	sor.u32 $0x10, s0;
	s28 =	smul.u32 $0x6400, s0  }
0x8: {  	s21 =	simm.s32 $0x1;
	s10 =	sor.u32 $0x20, s0;
	s9 =	smul.u32 $0x19000, s23  }
0x9: {  	[smem:$0x7FF] =	sst s4;
	s13 =	sor.u32 $0x30, s0;
	s11 =	smul.u32 $0x19000, s10  }
0xa: {  	s12 =	sadd.s32 $0x16000, s5;
	_ =	strace $0x8000004A;
	s16 =	smul.u32 $0x19000, s13  }
0xb: {  	s24 =	ssub.s32 $0x2, s6;
	p0 =	sgt.u32 s0, $0x1;
	s29 =	smul.u32 $0x6400, s23  }
0xc: {  	s14 =	sshrl.u32 s24, $0x1;
	s10 =	smul.u32 $0x6400, s10;
	s7 =	sadd.s32 s8, s7  }
0xd: {  	s13 =	smul.u32 $0x6400, s13;
	s14 =	ssub.s32 s24, s14;
	s7 =	sshrl.u32 s7, $0x3  }
0xe: {  	s25 =	sshrl.u32 s9, $0x2;
	s26 =	sshrl.u32 s11, $0x2;
	s30 =	sshrl.u32 s16, $0x2  }
0xf: {  	s9 =	sadd.s32 s28, s17;
	s11 =	sadd.s32 s17, s29;
	s10 =	sadd.s32 s17, s10  }
0x10: {  	s13 =	sadd.s32 s17, s13;
	s16 =	simm.s32 $0x2900;
	s17 =	simm.s32 $0x2  }
0x11: {  	s15 =	sadd.s32 s7, s5;
	s7 =	sshrl.u32 s22, $0x2;
	s6 =	sadd.s32 s25, s3  }
0x12: {  	s8 =	sadd.s32 s30, s3;
	s9 =	sshrl.u32 s9, $0x3;
	s11 =	sshrl.u32 s11, $0x3  }
0x13: {  	s31 =	sshrl.u32 s10, $0x3;
	s13 =	sshrl.u32 s13, $0x3;
	s22 =	simm.s32 $0x0  }
0x14: {  	s5 =	sadd.s32 s7, s3;
	s7 =	sadd.s32 s26, s3;
	s9 =	sadd.s32 s12, s9  }
0x15: {  	s10 =	sadd.s32 s12, s11;
	s11 =	sadd.s32 s12, s31;
	s12 =	sadd.s32 s12, s13  }
0x16: {  	v0 =	vimm.f32 $0.0e+00;
	s13 =	smax.u32 s14, $0x1;
	s14 =	sadd.s32 $0xC200, s15;
	s15 =	sadd.s32 $0x2400, s15  }
.LBB2_1:
0x17: {  	s23 =	simm.s32 $0x0;
	s24 =	simm.s32 $0x200  }
.LBB2_2:
0x18: {  	p1 =	sne.s32 s24, $0x18E00;
	[tilespmem:s23+$0x2970] =	vst v0  }
0x19: {  	[tilespmem:s23+$0x2900] =	vst v0  }
0x1a: {  	[tilespmem:s23+$0x2910] =	vst v0  }
.Ltmp0:
0x1b: {  	[tilespmem:s23+$0x2920] =	vst v0;
	(pc) =	sbr.rel @p1 .LBB2_2-.Ltmp0, $4  }
0x1c: {  	[tilespmem:s23+$0x2930] =	vst v0  }
0x1d: {  	[tilespmem:s23+$0x2940] =	vst v0  }
0x1e: {  	[tilespmem:s23+$0x2950] =	vst v0  }
0x1f: {  	[tilespmem:s23+$0x2960] =	vst v0;
	s23 =	sshra.s32 s24, $0x2;
	s24 =	sadd.s32 $0x200, s24  }
0x20: {  	[tilespmem:s23+$0x2970] =	vst v0  }
0x21: {  	[tilespmem:s23+$0x2900] =	vst v0  }
0x22: {  	[tilespmem:s23+$0x2910] =	vst v0  }
0x23: {  	[tilespmem:s23+$0x2920] =	vst v0  }
0x24: {  	[tilespmem:s23+$0x2930] =	vst v0  }
0x25: {  	[tilespmem:s23+$0x2940] =	vst v0  }
0x26: {  	[tilespmem:s23+$0x2950] =	vst v0  }
0x27: {  	[tilespmem:s23+$0x2960] =	vst v0  }
0x28: {  	[spmem:s5] =	stream.linear.scatter [tilespmem:s16], [sflag:$0x2], $0x6400, $0x38;
	[tilespmem:$0x1C580] =	vst v63  }
0x29: {  	_ =	swait.ge [sflag:s17], $0x6400  }
0x2a: {  	[sflag:s17] =	ssyncset.done $0x0  }
0x2b: {  	[sflag:s17] =	ssyncadd.s32 $0xFFFF9C00  }
0x2c: {  	[spmem:s6] =	stream.linear.scatter [tilespmem:s16], [sflag:$0x2], $0x6400, $0x38;
	[tilespmem:$0x1C580] =	vst v63  }
0x2d: {  	_ =	swait.ge [sflag:s17], $0x6400  }
0x2e: {  	[sflag:s17] =	ssyncset.done $0x0  }
0x2f: {  	[sflag:s17] =	ssyncadd.s32 $0xFFFF9C00  }
0x30: {  	[spmem:s7] =	stream.linear.scatter [tilespmem:s16], [sflag:$0x2], $0x6400, $0x38;
	[tilespmem:$0x1C580] =	vst v63  }
0x31: {  	_ =	swait.ge [sflag:s17], $0x6400  }
0x32: {  	[sflag:s17] =	ssyncset.done $0x0  }
0x33: {  	s23 =	simm.s32 @!p0 $0x2900;
	[sflag:s17] =	ssyncadd.s32 $0xFFFF9C00  }
0x34: {  	[spmem:s8] =	stream.linear.scatter @!p0 [tilespmem:s23], [sflag:$0x2], $0x6400, $0x38;
	[tilespmem:$0x1C580] =	vst v63  }
0x35: {  	s23 =	simm.s32 @!p0 $0x2  }
0x36: {  	_ =	swait.ge @!p0 [sflag:s23], $0x6400  }
0x37: {  	[sflag:s23] =	ssyncset.done @!p0 $0x0  }
0x38: {  	[sflag:s23] =	ssyncadd.s32 @!p0 $0xFFFF9C00  }
0x39: {  	s30 =	sadd.s32 $0x0, s15;
	[bflag:$0x0] =	sbarrier.arrive $0xFFFF  }
0x3a: {  	[tilespmem:s4], [sflag:$0x2] =	stream.linear.gather [hbm4b:s30+s4], $0x50, $0x38;
	[tilespmem:$0x1C580] =	vst v63  }
0x3b: {  	_ =	swait.ge [sflag:s17], $0x50  }
0x3c: {  	[sflag:s17] =	ssyncset.done $0x0  }
0x3d: {  	s31 =	sadd.s32 $0x0, s14;
	[sflag:s17] =	ssyncadd.s32 $0xFFFFFFB0  }
0x3e: {  	[tilespmem:s18], [sflag:$0x2] =	stream.linear.gather [hbm4b:s31+s4], $0x50, $0x38;
	[tilespmem:$0x1C580] =	vst v63  }
0x3f: {  	_ =	swait.ge [sflag:s17], $0x50  }
0x40: {  	[sflag:s17] =	ssyncset.done $0x0  }
0x41: {  	[sflag:s17] =	ssyncadd.s32 $0xFFFFFFB0  }
0x42: {  	[tilespmem:s20], [sflag:$0x1] =	stream.indirect.gather [hbm4b:s1+s19], $0x80, s4, s19, $0xb8;
	[tilespmem:$0x1C580] =	vst v63  }
0x43: {  	_ =	swait.ge [sflag:s21], $0x2800  }
0x44: {  	[sflag:s21] =	ssyncset.done $0x0  }
0x45: {  	[sflag:s21] =	ssyncadd.s32 $0xFFFFD800  }
0x46: {  	[spmem:s3] =	stream.indirect.scatter.add.f32 [tilespmem:s20], [sflag:$0x2], $0x80, s18, s19, $0xb8;
	[tilespmem:$0x1C580] =	vst v63  }
0x47: {  	_ =	swait.ge [sflag:s17], $0x2800  }
0x48: {  	s24 =	simm.s32 $0x14;
	s23 =	simm.s32 $0xA;
	[sflag:s17] =	ssyncset.done $0x0  }
.LBB2_4:
0x49: {  	s25 =	sadd.s32 s23, s15  }
0x4a: {  	[sflag:s17] =	ssyncadd.s32 $0xFFFFD800;
	s26 =	smov.u32 s24;
	s28 =	sadd.s32 $0xA, s24  }
0x4b: {  	[tilespmem:s4], [sflag:$0x2] =	stream.linear.gather [hbm4b:s25+s4], $0x50, $0x38;
	[tilespmem:$0x1C580] =	vst v63  }
0x4c: {  	p1 =	sne.s32 s24, $0x4D8;
	_ =	swait.ge [sflag:s17], $0x50  }
0x4d: {  	[sflag:s17] =	ssyncset.done $0x0  }
0x4e: {  	s24 =	sadd.s32 s23, s14;
	s23 =	smov.u32 s26;
	[sflag:s17] =	ssyncadd.s32 $0xFFFFFFB0  }
0x4f: {  	[tilespmem:s18], [sflag:$0x2] =	stream.linear.gather [hbm4b:s24+s4], $0x50, $0x38;
	[tilespmem:$0x1C580] =	vst v63  }
0x50: {  	_ =	swait.ge [sflag:s17], $0x50  }
0x51: {  	[sflag:s17] =	ssyncset.done $0x0  }
0x52: {  	[sflag:s17] =	ssyncadd.s32 $0xFFFFFFB0  }
0x53: {  	[tilespmem:s20], [sflag:$0x1] =	stream.indirect.gather [hbm4b:s1+s19], $0x80, s4, s19, $0xb8;
	[tilespmem:$0x1C580] =	vst v63  }
0x54: {  	_ =	swait.ge [sflag:s21], $0x2800  }
.Ltmp1:
0x55: {  	[sflag:s21] =	ssyncset.done $0x0;
	(pc) =	sbr.rel @p1 .LBB2_4-.Ltmp1, $4  }
0x56: {  	[sflag:s21] =	ssyncadd.s32 $0xFFFFD800  }
0x57: {  	[spmem:s3] =	stream.indirect.scatter.add.f32 [tilespmem:s20], [sflag:$0x2], $0x80, s18, s19, $0xb8;
	[tilespmem:$0x1C580] =	vst v63  }
0x58: {  	_ =	swait.ge [sflag:s17], $0x2800  }
0x59: {  	s24 =	smov.u32 s28;
	[sflag:s17] =	ssyncset.done $0x0  }
0x5a: {  	s24 =	sadd.s32 s23, s15;
	[sflag:s17] =	ssyncadd.s32 $0xFFFFD800  }
0x5b: {  	[tilespmem:s4], [sflag:$0x2] =	stream.linear.gather [hbm4b:s24+s4], $0x50, $0x38;
	[tilespmem:$0x1C580] =	vst v63  }
0x5c: {  	_ =	swait.ge [sflag:s17], $0x50  }
0x5d: {  	[sflag:s17] =	ssyncset.done $0x0  }
0x5e: {  	s31 =	sadd.s32 s23, s14;
	[sflag:s17] =	ssyncadd.s32 $0xFFFFFFB0  }
0x5f: {  	[tilespmem:s18], [sflag:$0x2] =	stream.linear.gather [hbm4b:s31+s4], $0x50, $0x38;
	[tilespmem:$0x1C580] =	vst v63  }
0x60: {  	_ =	swait.ge [sflag:s17], $0x50  }
0x61: {  	[sflag:s17] =	ssyncset.done $0x0  }
0x62: {  	[sflag:s17] =	ssyncadd.s32 $0xFFFFFFB0  }
0x63: {  	[tilespmem:s20], [sflag:$0x1] =	stream.indirect.gather [hbm4b:s1+s19], $0x80, s4, s19, $0xb8;
	[tilespmem:$0x1C580] =	vst v63  }
0x64: {  	_ =	swait.ge [sflag:s21], $0x2800  }
0x65: {  	[sflag:s21] =	ssyncset.done $0x0  }
0x66: {  	[sflag:s21] =	ssyncadd.s32 $0xFFFFD800  }
0x67: {  	[spmem:s3] =	stream.indirect.scatter.add.f32 [tilespmem:s20], [sflag:$0x2], $0x80, s18, s19, $0xb8;
	[tilespmem:$0x1C580] =	vst v63  }
0x68: {  	_ =	swait.ge [sflag:s17], $0x2800  }
0x69: {  	[sflag:s17] =	ssyncset.done $0x0  }
0x6a: {  	[sflag:s17] =	ssyncadd.s32 $0xFFFFD800  }
0x6b: {  	[bflag:$0x0] =	sbarrier.arrive $0xFFFF  }
0x6c: {  	[tilespmem:s16], [sflag:$0x2] =	stream.linear.gather [spmem:s5], $0x6400, $0x38;
	[tilespmem:$0x1C580] =	vst v63  }
0x6d: {  	_ =	swait.ge [sflag:s17], $0x6400  }
0x6e: {  	[sflag:s17] =	ssyncset.done $0x0  }
0x6f: {  	[sflag:s17] =	ssyncadd.s32 $0xFFFF9C00  }
0x70: {  	[hbm4b:s9+s4] =	stream.linear.scatter [tilespmem:s16], [sflag:$0x2], $0x6400, $0x38;
	[tilespmem:$0x1C580] =	vst v63  }
0x71: {  	_ =	swait.ge [sflag:s17], $0x6400  }
0x72: {  	[sflag:s17] =	ssyncset.done $0x0  }
0x73: {  	[sflag:s17] =	ssyncadd.s32 $0xFFFF9C00  }
0x74: {  	[tilespmem:s16], [sflag:$0x2] =	stream.linear.gather [spmem:s6], $0x6400, $0x38;
	[tilespmem:$0x1C580] =	vst v63  }
0x75: {  	_ =	swait.ge [sflag:s17], $0x6400  }
0x76: {  	[sflag:s17] =	ssyncset.done $0x0  }
0x77: {  	[sflag:s17] =	ssyncadd.s32 $0xFFFF9C00  }
0x78: {  	[hbm4b:s10+s4] =	stream.linear.scatter [tilespmem:s16], [sflag:$0x2], $0x6400, $0x38;
	[tilespmem:$0x1C580] =	vst v63  }
0x79: {  	_ =	swait.ge [sflag:s17], $0x6400  }
0x7a: {  	[sflag:s17] =	ssyncset.done $0x0  }
0x7b: {  	[sflag:s17] =	ssyncadd.s32 $0xFFFF9C00  }
0x7c: {  	[tilespmem:s16], [sflag:$0x2] =	stream.linear.gather [spmem:s7], $0x6400, $0x38;
	[tilespmem:$0x1C580] =	vst v63  }
0x7d: {  	_ =	swait.ge [sflag:s17], $0x6400  }
0x7e: {  	[sflag:s17] =	ssyncset.done $0x0  }
0x7f: {  	[sflag:s17] =	ssyncadd.s32 $0xFFFF9C00  }
0x80: {  	[hbm4b:s11+s4] =	stream.linear.scatter [tilespmem:s16], [sflag:$0x2], $0x6400, $0x38;
	[tilespmem:$0x1C580] =	vst v63  }
0x81: {  	_ =	swait.ge [sflag:s17], $0x6400  }
0x82: {  	[sflag:s17] =	ssyncset.done $0x0  }
0x83: {  	s23 =	simm.s32 @!p0 $0x2900;
	s24 =	simm.s32 @!p0 $0x2;
	[sflag:s17] =	ssyncadd.s32 $0xFFFF9C00  }
0x84: {  	[tilespmem:s23], [sflag:$0x2] =	stream.linear.gather @!p0 [spmem:s8], $0x6400, $0x38;
	[tilespmem:$0x1C580] =	vst v63  }
0x85: {  	s22 =	sadd.s32 $0x1, s22;
	_ =	swait.ge @!p0 [sflag:s24], $0x6400  }
0x86: {  	p1 =	sne.s32 s22, s13;
	[sflag:s24] =	ssyncset.done @!p0 $0x0  }
.Ltmp2:
0x87: {  	s25 =	simm.s32 @!p0 $0x0;
	[sflag:s24] =	ssyncadd.s32 @!p0 $0xFFFF9C00;
	(pc) =	sbr.rel @p1 .LBB2_1-.Ltmp2, $4  }
0x88: {  	[hbm4b:s12+s25] =	stream.linear.scatter @!p0 [tilespmem:s23], [sflag:$0x2], $0x6400, $0x38;
	[tilespmem:$0x1C580] =	vst v63  }
0x89: {  	_ =	swait.ge @!p0 [sflag:s24], $0x6400  }
0x8a: {  	[sflag:s24] =	ssyncset.done @!p0 $0x0  }
0x8b: {  	[sflag:s24] =	ssyncadd.s32 @!p0 $0xFFFF9C00  }
0x8c: {  	_ =	sfence.sel $0x180000  }
0x8d: {  	[bflag:$0x0] =	sbarrier.arrive $0xFFFF  }
0x8e: {  	p0 =	sne.s32 s0, $0x0;
	_ =	strace $0x9000004A  }
0x8f: {  	s0 =	sadd.s32 @!p0 $0x100000, s2;
	[bflag:$0x2] =	sbarrier.arrive $0xFFFF  }
0x90: {  	[sflag:s0] =	ssyncadd.tile.s32 @!p0 $0x1;
	_ =	shalt  }
.Lfunc_end2:
_tile_overlayer_lowered:
.L_overlay_start_2:
0x91: {  	(tag) =	ssettag $0x2  }
0x92: {  	s0 =	rddreg [dreg:$0x0];
	s2 =	stileid.u32  }
0x93: {  	s1 =	rddreg [dreg:$0x1];
	p0 =	sne.s32 s2, $0x0  }
0x94: {  	s3 =	rddreg [dreg:$0x2];
	[bflag:$0x3] =	sbarrier.arrive $0xFFFF;
	s2 =	simm.s32 @!p0 $0x1C02  }
0x95: {  	[timem:s3], [sflag:s2] =	dma.local @!p0 [hbm:s0], s1  }
0x96: {  	s0 =	simm.s32 @!p0 $0x2  }
0x97: {  	_ =	swait.ge @!p0 [sflag:s0], s1  }
0x98: {  	s1 =	ssub.s32 @!p0 $0x0, s1;
	[sflag:s0] =	ssyncset.done @!p0 $0x0  }
0x99: {  	[sflag:s0] =	ssyncadd.s32 @!p0 s1  }
0x9a: {  	[bflag:$0x3] =	sbarrier.arrive $0xFFFF  }
0x9b: {  	_ =	shalt  }

// kernel: kernel.14.cloned.1.call-start
scs
__scs_entry_jumppad:
0x0: {  	(pc) =	sbr.rel $0x88, $3  }
0x1: {  	(tag) =	ssettag $0x0;
	lr =	simm.s32 $0x1  }
0x2: {  	[smem:$0x3F99] =	sst lr;
	_ =	strace $0xD0000000  }
0x3: {  	_ = 	snop  }
0x4: {  	_ = 	snop  }
0x5: {  	_ = 	snop  }
0x6: {  	_ = 	snop  }
0x7: {  	_ = 	snop  }
__scs_overlays_trampoline_lowered:
0x8: {  	[smem:$0x3FA8] =	sst s0  }
0x9: {  	[smem:$0x3FA9] =	sst s1  }
0xa: {  	[smem:$0x3FAA] =	sst s2  }
0xb: {  	[smem:$0x3FAB] =	sst s3  }
0xc: {  	[smem:$0x3FAC] =	sst s4  }
0xd: {  	[smem:$0x3FAD] =	sst s5  }
0xe: {  	[smem:$0x3FAE] =	sst s6  }
0xf: {  	[smem:$0x3FAF] =	sst s7  }
0x10: {  	[smem:$0x3FB0] =	sst s8  }
0x11: {  	[smem:$0x3FB1] =	sst s9;
	s0 =	simm.s32 @!p0 $0x0  }
0x12: {  	s1 =	sld [smem:$0x3F97];
	s0 =	simm.s32 @p0 $0x1  }
0x13: {  	[smem:$0x3FB2] =	sst s0;
	s0 =	simm.s32 @!p1 $0x0  }
0x14: {  	s2 =	sld [smem:$0x3F96];
	s0 =	simm.s32 @p1 $0x1  }
0x15: {  	[smem:$0x3FB3] =	sst s0;
	s0 =	simm.s32 @!p2 $0x0  }
0x16: {  	s3 =	sld [smem:$0x3FDB];
	s0 =	simm.s32 @p2 $0x1  }
0x17: {  	s4 =	simm.s32 $0x1BF5;
	[smem:$0x3FB5] =	sst s0  }
0x18: {  	s0 =	sld [smem:$0x3F98];
	_ =	swait.ge [sflag:s4], $0x0  }
0x19: {  	s7 =	sld [smem:$0x3F99]  }
0x1a: {  	s8 =	sadd.s32 $0xFFFFE003, lr  }
0x1b: {  	s9 =	sadd.s32 $0xFFFFFEF7, lr;
	s5 =	simm.s32 $0xFFFFFFFF;
	p2 =	slt.u32 s8, $0xFFFFF086  }
0x1c: {  	p1 =	slt.u32 s9, $0xF7A;
	s5 =	simm.s32 @!p2 $0x0  }
0x1d: {  	s5 =	simm.s32 @p1 $0x1;
	p0 =	seq.s32 s7, s2  }
0x1e: {  	s7 =	smul.u32 @!p0 $0xF7A, s2;
	p2 =	seq.s32 @!p0 s5, $0x0  }
0x1f: {  	s9 =	smul.u32 $0xF7A, s1;
	s8 =	simm.s32 @!p0 $0x1BF5;
	p2 =	por !p2, p0  }
0x20: {  	[sflag:s8] =	ssyncset.s32 @!p0 $0xFFFFF086;
	s6 =	sadd.s32 @!p0 s3, s7;
	s7 =	simm.s32 @!p0 $0x108  }
0x21: {  	s3 =	sadd.s32 s3, s9;
	s6 =	sadd.s32 @!p0 $0x88, s6;
	s7 =	simm.s32 @p2 $0x1082  }
0x22: {  	[simem:s7], [sflag:s8] =	dma.local @!p0 [hbm:s6], $0xF7A  }
0x23: {  	s9 =	sor.u32 $0xD0000000, s2;
	s6 =	simm.s32 $0x108;
	_ =	swait.ge @!p0 [sflag:s8], $0x0  }
0x24: {  	s3 =	sadd.s32 $0x88, s3;
	s6 =	simm.s32 @!p1 $0x1082;
	[sflag:s4] =	ssyncset.s32 $0xFFFFF086  }
0x25: {  	[simem:s6], [sflag:s4] =	dma.local [hbm:s3], $0xF7A  }
0x26: {  	[smem:$0x3F99] =	sst s1;
	(tag) =	ssettag s2;
	_ =	strace s9  }
0x27: {  	s1 =	sld [smem:$0x3FA9]  }
0x28: {  	s2 =	sld [smem:$0x3FAA]  }
0x29: {  	s4 =	sld [smem:$0x3FAC]  }
0x2a: {  	p0 =	seq.s32 s5, $0x0;
	s5 =	sld [smem:$0x3FAD]  }
0x2b: {  	s6 =	sld [smem:$0x3FAE]  }
0x2c: {  	s7 =	sld [smem:$0x3FAF]  }
0x2d: {  	s3 =	simm.s32 $0x108;
	s8 =	sld [smem:$0x3FB0]  }
0x2e: {  	s3 =	simm.s32 @!p0 $0x1082;
	s9 =	sld [smem:$0x3FB1]  }
0x2f: {  	lr =	sadd.s32 s0, s3;
	s0 =	sld [smem:$0x3FA8]  }
0x30: {  	s3 =	sld [smem:$0x3FAB]  }
0x31: {  	[smem:$0x3FB4] =	sst s10  }
0x32: {  	s10 =	sld [smem:$0x3FB2];
	_ =	sdelay $0x3  }
0x33: {  	p0 =	seq.s32 s10, $0x1;
	s10 =	sld [smem:$0x3FB4];
	_ =	sdelay $0x3  }
0x34: {  	[smem:$0x3FB4] =	sst s10  }
0x35: {  	s10 =	sld [smem:$0x3FB3];
	_ =	sdelay $0x3  }
0x36: {  	p1 =	seq.s32 s10, $0x1;
	s10 =	sld [smem:$0x3FB4];
	_ =	sdelay $0x3  }
0x37: {  	[smem:$0x3FB4] =	sst s10  }
0x38: {  	s10 =	sld [smem:$0x3FB5]  }
0x39: {  	_ = 	snop;
	(pc) =	sbr.ind lr, $3  }
0x3a: {  	_ = 	snop  }
0x3b: {  	_ = 	snop  }
0x3c: {  	p2 =	seq.s32 s10, $0x1;
	s10 =	sld [smem:$0x3FB4]  }
0x3d: {  	_ =	shalt  }
0x3e: {  	_ =	shalt  }
0x3f: {  	_ =	shalt  }
0x40: {  	_ =	shalt  }
0x41: {  	_ =	shalt  }
0x42: {  	_ =	shalt  }
0x43: {  	_ =	shalt  }
0x44: {  	_ =	shalt  }
0x45: {  	_ =	shalt  }
0x46: {  	_ =	shalt  }
0x47: {  	_ =	shalt  }
0x48: {  	_ =	shalt  }
0x49: {  	_ =	shalt  }
0x4a: {  	_ =	shalt  }
0x4b: {  	_ =	shalt  }
0x4c: {  	_ =	shalt  }
0x4d: {  	_ =	shalt  }
0x4e: {  	_ =	shalt  }
0x4f: {  	_ =	shalt  }
0x50: {  	_ =	shalt  }
0x51: {  	_ =	shalt  }
0x52: {  	_ =	shalt  }
0x53: {  	_ =	shalt  }
0x54: {  	_ =	shalt  }
0x55: {  	_ =	shalt  }
0x56: {  	_ =	shalt  }
0x57: {  	_ =	shalt  }
0x58: {  	_ =	shalt  }
0x59: {  	_ =	shalt  }
0x5a: {  	_ =	shalt  }
0x5b: {  	_ =	shalt  }
0x5c: {  	_ =	shalt  }
0x5d: {  	_ =	shalt  }
0x5e: {  	_ =	shalt  }
0x5f: {  	_ =	shalt  }
0x60: {  	_ =	shalt  }
0x61: {  	_ =	shalt  }
0x62: {  	_ =	shalt  }
0x63: {  	_ =	shalt  }
0x64: {  	_ =	shalt  }
0x65: {  	_ =	shalt  }
0x66: {  	_ =	shalt  }
0x67: {  	_ =	shalt  }
0x68: {  	_ =	shalt  }
0x69: {  	_ =	shalt  }
0x6a: {  	_ =	shalt  }
0x6b: {  	_ =	shalt  }
0x6c: {  	_ =	shalt  }
0x6d: {  	_ =	shalt  }
0x6e: {  	_ =	shalt  }
0x6f: {  	_ =	shalt  }
0x70: {  	_ =	shalt  }
0x71: {  	_ =	shalt  }
0x72: {  	_ =	shalt  }
0x73: {  	_ =	shalt  }
0x74: {  	_ =	shalt  }
0x75: {  	_ =	shalt  }
0x76: {  	_ =	shalt  }
0x77: {  	_ =	shalt  }
0x78: {  	_ =	shalt  }
0x79: {  	_ =	shalt  }
0x7a: {  	_ =	shalt  }
0x7b: {  	_ =	shalt  }
0x7c: {  	_ =	shalt  }
0x7d: {  	_ =	shalt  }
0x7e: {  	_ =	shalt  }
0x7f: {  	_ =	shalt  }
0x80: {  	_ =	shalt  }
0x81: {  	_ =	shalt  }
0x82: {  	_ =	shalt  }
0x83: {  	_ =	shalt  }
0x84: {  	_ =	shalt  }
0x85: {  	_ =	shalt  }
0x86: {  	_ =	shalt  }
0x87: {  	_ =	shalt  }
.Lfunc_end0:
.L_simem_size_0:
called_computation.2_lowered:
.L_overlay_start_0:
0x88: {  	s2 =	sld [smem:$0x3FD9]  }
0x89: {  	s3 =	sld [smem:$0x3FFE];
	_ =	sdelay $0x1  }
0x8a: {  	s1 =	srdreg.scid  }
0x8b: {  	s0 =	sand.u32 $0x1, s1  }
0x8c: {  	s17 =	sshll.u32 s0, $0xA;
	s2 =	sadd.s32 s3, s2  }
0x8d: {  	s2 =	sadd.s32 s2, s17  }
0x8e: {  	[smem:$0x3FC0] =	sst s2  }
0x8f: {  	_ = 	snop  }
0x90: {  	s2 =	sld [smem:$0x3FD0];
	(tm) =	ssettm $0x1  }
0x91: {  	s18 =	sld [smem:$0x3FFB];
	_ =	sdelay $0x3  }
0x92: {  	_ =	strace s18  }
0x93: {  	s3 =	sld [smem:$0x3FFC];
	_ =	sdelay $0x3  }
0x94: {  	_ =	strace s3  }
0x95: {  	s3 =	sld [smem:$0x3FFD];
	_ =	sdelay $0x3  }
0x96: {  	_ =	strace s3  }
0x97: {  	_ =	strace $0x8FFFFFFF  }
0x98: {  	s19 =	sld [smem:$0x3FDB];
	_ =	sdelay $0x1  }
0x99: {  	s4 =	simm.s32 $_scs_section_size  }
0x9a: {  	s5 =	simm.s32 $_size__tile_overlayer_lowered;
	s6 =	simm.s32 $_tile_overlayer_lowered  }
0x9b: {  	s22 =	simm.s32 $0x1BFF;
	s21 =	sshll.u32 s6, $0x1;
	s3 =	sadd.s32 s4, s19  }
0x9c: {  	s7 =	simm.s32 $0x0;
	s20 =	sshll.u32 s5, $0x1;
	s5 =	sadd.s32 s21, s3  }
0x9d: {  	[timem:s7], [sflag:s22] =	dma.local [hbm:s5], s20  }
0x9e: {  	_ =	swait.ge [sflag:s22], s20  }
0x9f: {  	s4 =	ssub.s32 $0x0, s20;
	[sflag:s22] =	ssyncset.done $0x0  }
0xa0: {  	[sflag:s22] =	ssyncadd.s32 s4;
	_ =	sdelay $0x1  }
0xa1: {  	s23 =	simm.s32 $0x1B8B  }
0xa2: {  	_ =	swait.ge [sflag:s23], $0x1  }
0xa3: {  	[sflag:s23] =	ssyncset.done $0x0  }
0xa4: {  	s25 =	simm.s32 $0x1B8E;
	s24 =	sld [smem:$0x3FFE];
	[sflag:s23] =	ssyncadd.s32 $0xFFFFFFFF  }
0xa5: {  	s26 =	simm.s32 $execute0_lowered;
	[smem:$0x3FD2] =	sst s25  }
0xa6: {  	s5 =	sshll.u32 s26, $0x1;
	_ =	strace $0x8000004C;
	[dreg:$0x1] =	wrdreg $0xFFFFFFFF  }
0xa7: {  	s28 =	simm.s32 $_size_execute0_lowered;
	s3 =	sadd.s32 s3, s5;
	[dreg:$0x0] =	wrdreg $0x0  }
0xa8: {  	s5 =	sshll.u32 s28, $0x1;
	[dreg:$0x2] =	wrdreg s3  }
0xa9: {  	[dreg:$0x3] =	wrdreg s5  }
0xaa: {  	[dreg:$0x4] =	wrdreg $0xC0  }
0xab: {  	_ =	task [dreg:s7], $0x5FFFF  }
0xac: {  	[dreg:$0x1] =	wrdreg $0xFFFFFFFF  }
0xad: {  	[dreg:$0x0] =	wrdreg $0x60  }
0xae: {  	[dreg:$0x2] =	wrdreg s2  }
0xaf: {  	[dreg:$0x3] =	wrdreg s24  }
0xb0: {  	[dreg:$0x4] =	wrdreg $0x8D000  }
0xb1: {  	[dreg:$0x5] =	wrdreg $0x9  }
0xb2: {  	_ =	task.clear_ibuf [dreg:s7], $0x6FFFF;
	_ =	strace $0x9000004C  }
0xb3: {  	s29 =	simm.s32 $0x9;
	_ =	strace $0x8000004E  }
0xb4: {  	_ =	swait.ge [sflag:s29], $0x1  }
0xb5: {  	[sflag:s29] =	ssyncadd.s32 $0xFFFFFFFF  }
0xb6: {  	_ =	strace $0x9000004E  }
0xb7: {  	_ =	sfence  }
0xb8: {  	s30 =	sld [smem:$0x0];
	_ =	sdelay $0x2  }
0xb9: {  	s31 =	sshll.u32 s1, $0xD;
	s1 =	sshrl.u32 s1, $0x2  }
0xba: {  	s3 =	sand.u32 $0x4000, s31;
	s1 =	sadd.s32 s1, s30  }
0xbb: {  	s0 =	sor.u32 s3, s0;
	s1 =	sshll.u32 s1, $0x11  }
0xbc: {  	s0 =	sor.u32 s1, s0  }
0xbd: {  	s0 =	sadd.s32 $0x8F2B, s0  }
0xbe: {  	[sflag:s0] =	ssyncadd.remote.s32 $0x1  }
0xbf: {  	_ =	sfence.sel $0xFFFF  }
0xc0: {  	[dreg:$0x0] =	wrdreg $0xFFFFFFFF;
	(pc) =	sbr.abs _section_cstart, $3  }
0xc1: {  	[dreg:$0x1] =	wrdreg $0xFFFFFFFF  }
0xc2: {  	_ =	task.clear_ibuf [dreg:s7], $0x2FFFF;
	_ =	strace $0x9FFFFFFF  }
0xc3: {  	(tm) =	ssettm $0x7FFFFFFF  }
tec
execute0_lowered:
.L_overlay_start_1:
0x0: {  	(tag) =	ssettag $0x1  }
0x1: {  	s1 =	rddreg [dreg:$0x0];
	s0 =	srdreg.scid  }
0x2: {  	s5 =	rddreg [dreg:$0x1];
	s6 =	sand.u32 $0x1, s0  }
0x3: {  	s0 =	stileid.u32;
	s7 =	smul.u32 $0x27100, s6  }
0x4: {  	s3 =	rddreg [dreg:$0x2];
	s8 =	smul.u32 $0x2710, s0  }
0x5: {  	s2 =	rddreg [dreg:$0x3];
	s4 =	simm.s32 $0x0;
	s22 =	smul.u32 $0x19000, s0  }
0x6: {  	s18 =	simm.s32 $0x80;
	s19 =	simm.s32 $0x50;
	s17 =	smul.u32 $0x138800, s6  }
0x7: {  	s20 =	simm.s32 $0x100;
	s23 =	sor.u32 $0x10, s0;
	s28 =	smul.u32 $0x6400, s0  }
0x8: {  	s21 =	simm.s32 $0x1;
	s10 =	sor.u32 $0x20, s0;
	s9 =	smul.u32 $0x19000, s23  }
0x9: {  	[smem:$0x7FF] =	sst s4;
	s13 =	sor.u32 $0x30, s0;
	s11 =	smul.u32 $0x19000, s10  }
0xa: {  	s12 =	sadd.s32 $0x16000, s5;
	_ =	strace $0x8000004D;
	s16 =	smul.u32 $0x19000, s13  }
0xb: {  	s24 =	ssub.s32 $0x2, s6;
	p0 =	sgt.u32 s0, $0x1;
	s29 =	smul.u32 $0x6400, s23  }
0xc: {  	s14 =	sshrl.u32 s24, $0x1;
	s10 =	smul.u32 $0x6400, s10;
	s7 =	sadd.s32 s8, s7  }
0xd: {  	s13 =	smul.u32 $0x6400, s13;
	s14 =	ssub.s32 s24, s14;
	s7 =	sshrl.u32 s7, $0x3  }
0xe: {  	s25 =	sshrl.u32 s9, $0x2;
	s26 =	sshrl.u32 s11, $0x2;
	s30 =	sshrl.u32 s16, $0x2  }
0xf: {  	s9 =	sadd.s32 s28, s17;
	s11 =	sadd.s32 s17, s29;
	s10 =	sadd.s32 s17, s10  }
0x10: {  	s13 =	sadd.s32 s17, s13;
	s16 =	simm.s32 $0x2900;
	s17 =	simm.s32 $0x2  }
0x11: {  	s15 =	sadd.s32 s7, s5;
	s7 =	sshrl.u32 s22, $0x2;
	s6 =	sadd.s32 s25, s3  }
0x12: {  	s8 =	sadd.s32 s30, s3;
	s9 =	sshrl.u32 s9, $0x3;
	s11 =	sshrl.u32 s11, $0x3  }
0x13: {  	s31 =	sshrl.u32 s10, $0x3;
	s13 =	sshrl.u32 s13, $0x3;
	s22 =	simm.s32 $0x0  }
0x14: {  	s5 =	sadd.s32 s7, s3;
	s7 =	sadd.s32 s26, s3;
	s9 =	sadd.s32 s12, s9  }
0x15: {  	s10 =	sadd.s32 s12, s11;
	s11 =	sadd.s32 s12, s31;
	s12 =	sadd.s32 s12, s13  }
0x16: {  	v0 =	vimm.f32 $0.0e+00;
	s13 =	smax.u32 s14, $0x1;
	s14 =	sadd.s32 $0xC200, s15;
	s15 =	sadd.s32 $0x2400, s15  }
.LBB2_1:
0x17: {  	s23 =	simm.s32 $0x0;
	s24 =	simm.s32 $0x200  }
.LBB2_2:
0x18: {  	p1 =	sne.s32 s24, $0x18E00;
	[tilespmem:s23+$0x2970] =	vst v0  }
0x19: {  	[tilespmem:s23+$0x2900] =	vst v0  }
0x1a: {  	[tilespmem:s23+$0x2910] =	vst v0  }
.Ltmp0:
0x1b: {  	[tilespmem:s23+$0x2920] =	vst v0;
	(pc) =	sbr.rel @p1 .LBB2_2-.Ltmp0, $4  }
0x1c: {  	[tilespmem:s23+$0x2930] =	vst v0  }
0x1d: {  	[tilespmem:s23+$0x2940] =	vst v0  }
0x1e: {  	[tilespmem:s23+$0x2950] =	vst v0  }
0x1f: {  	[tilespmem:s23+$0x2960] =	vst v0;
	s23 =	sshra.s32 s24, $0x2;
	s24 =	sadd.s32 $0x200, s24  }
0x20: {  	[tilespmem:s23+$0x2970] =	vst v0  }
0x21: {  	[tilespmem:s23+$0x2900] =	vst v0  }
0x22: {  	[tilespmem:s23+$0x2910] =	vst v0  }
0x23: {  	[tilespmem:s23+$0x2920] =	vst v0  }
0x24: {  	[tilespmem:s23+$0x2930] =	vst v0  }
0x25: {  	[tilespmem:s23+$0x2940] =	vst v0  }
0x26: {  	[tilespmem:s23+$0x2950] =	vst v0  }
0x27: {  	[tilespmem:s23+$0x2960] =	vst v0  }
0x28: {  	[spmem:s5] =	stream.linear.scatter [tilespmem:s16], [sflag:$0x2], $0x6400, $0x38;
	[tilespmem:$0x1C580] =	vst v63  }
0x29: {  	_ =	swait.ge [sflag:s17], $0x6400  }
0x2a: {  	[sflag:s17] =	ssyncset.done $0x0  }
0x2b: {  	[sflag:s17] =	ssyncadd.s32 $0xFFFF9C00  }
0x2c: {  	[spmem:s6] =	stream.linear.scatter [tilespmem:s16], [sflag:$0x2], $0x6400, $0x38;
	[tilespmem:$0x1C580] =	vst v63  }
0x2d: {  	_ =	swait.ge [sflag:s17], $0x6400  }
0x2e: {  	[sflag:s17] =	ssyncset.done $0x0  }
0x2f: {  	[sflag:s17] =	ssyncadd.s32 $0xFFFF9C00  }
0x30: {  	[spmem:s7] =	stream.linear.scatter [tilespmem:s16], [sflag:$0x2], $0x6400, $0x38;
	[tilespmem:$0x1C580] =	vst v63  }
0x31: {  	_ =	swait.ge [sflag:s17], $0x6400  }
0x32: {  	[sflag:s17] =	ssyncset.done $0x0  }
0x33: {  	s23 =	simm.s32 @!p0 $0x2900;
	[sflag:s17] =	ssyncadd.s32 $0xFFFF9C00  }
0x34: {  	[spmem:s8] =	stream.linear.scatter @!p0 [tilespmem:s23], [sflag:$0x2], $0x6400, $0x38;
	[tilespmem:$0x1C580] =	vst v63  }
0x35: {  	s23 =	simm.s32 @!p0 $0x2  }
0x36: {  	_ =	swait.ge @!p0 [sflag:s23], $0x6400  }
0x37: {  	[sflag:s23] =	ssyncset.done @!p0 $0x0  }
0x38: {  	[sflag:s23] =	ssyncadd.s32 @!p0 $0xFFFF9C00  }
0x39: {  	s30 =	sadd.s32 $0x0, s15;
	[bflag:$0x0] =	sbarrier.arrive $0xFFFF  }
0x3a: {  	[tilespmem:s4], [sflag:$0x2] =	stream.linear.gather [hbm4b:s30+s4], $0x50, $0x38;
	[tilespmem:$0x1C580] =	vst v63  }
0x3b: {  	_ =	swait.ge [sflag:s17], $0x50  }
0x3c: {  	[sflag:s17] =	ssyncset.done $0x0  }
0x3d: {  	s31 =	sadd.s32 $0x0, s14;
	[sflag:s17] =	ssyncadd.s32 $0xFFFFFFB0  }
0x3e: {  	[tilespmem:s18], [sflag:$0x2] =	stream.linear.gather [hbm4b:s31+s4], $0x50, $0x38;
	[tilespmem:$0x1C580] =	vst v63  }
0x3f: {  	_ =	swait.ge [sflag:s17], $0x50  }
0x40: {  	[sflag:s17] =	ssyncset.done $0x0  }
0x41: {  	[sflag:s17] =	ssyncadd.s32 $0xFFFFFFB0  }
0x42: {  	[tilespmem:s20], [sflag:$0x1] =	stream.indirect.gather [hbm4b:s1+s19], $0x80, s4, s19, $0xb8;
	[tilespmem:$0x1C580] =	vst v63  }
0x43: {  	_ =	swait.ge [sflag:s21], $0x2800  }
0x44: {  	[sflag:s21] =	ssyncset.done $0x0  }
0x45: {  	[sflag:s21] =	ssyncadd.s32 $0xFFFFD800  }
0x46: {  	[spmem:s3] =	stream.indirect.scatter.add.f32 [tilespmem:s20], [sflag:$0x2], $0x80, s18, s19, $0xb8;
	[tilespmem:$0x1C580] =	vst v63  }
0x47: {  	_ =	swait.ge [sflag:s17], $0x2800  }
0x48: {  	s24 =	simm.s32 $0x14;
	s23 =	simm.s32 $0xA;
	[sflag:s17] =	ssyncset.done $0x0  }
.LBB2_4:
0x49: {  	s25 =	sadd.s32 s23, s15  }
0x4a: {  	[sflag:s17] =	ssyncadd.s32 $0xFFFFD800;
	s26 =	smov.u32 s24;
	s28 =	sadd.s32 $0xA, s24  }
0x4b: {  	[tilespmem:s4], [sflag:$0x2] =	stream.linear.gather [hbm4b:s25+s4], $0x50, $0x38;
	[tilespmem:$0x1C580] =	vst v63  }
0x4c: {  	p1 =	sne.s32 s24, $0x4D8;
	_ =	swait.ge [sflag:s17], $0x50  }
0x4d: {  	[sflag:s17] =	ssyncset.done $0x0  }
0x4e: {  	s24 =	sadd.s32 s23, s14;
	s23 =	smov.u32 s26;
	[sflag:s17] =	ssyncadd.s32 $0xFFFFFFB0  }
0x4f: {  	[tilespmem:s18], [sflag:$0x2] =	stream.linear.gather [hbm4b:s24+s4], $0x50, $0x38;
	[tilespmem:$0x1C580] =	vst v63  }
0x50: {  	_ =	swait.ge [sflag:s17], $0x50  }
0x51: {  	[sflag:s17] =	ssyncset.done $0x0  }
0x52: {  	[sflag:s17] =	ssyncadd.s32 $0xFFFFFFB0  }
0x53: {  	[tilespmem:s20], [sflag:$0x1] =	stream.indirect.gather [hbm4b:s1+s19], $0x80, s4, s19, $0xb8;
	[tilespmem:$0x1C580] =	vst v63  }
0x54: {  	_ =	swait.ge [sflag:s21], $0x2800  }
.Ltmp1:
0x55: {  	[sflag:s21] =	ssyncset.done $0x0;
	(pc) =	sbr.rel @p1 .LBB2_4-.Ltmp1, $4  }
0x56: {  	[sflag:s21] =	ssyncadd.s32 $0xFFFFD800  }
0x57: {  	[spmem:s3] =	stream.indirect.scatter.add.f32 [tilespmem:s20], [sflag:$0x2], $0x80, s18, s19, $0xb8;
	[tilespmem:$0x1C580] =	vst v63  }
0x58: {  	_ =	swait.ge [sflag:s17], $0x2800  }
0x59: {  	s24 =	smov.u32 s28;
	[sflag:s17] =	ssyncset.done $0x0  }
0x5a: {  	s24 =	sadd.s32 s23, s15;
	[sflag:s17] =	ssyncadd.s32 $0xFFFFD800  }
0x5b: {  	[tilespmem:s4], [sflag:$0x2] =	stream.linear.gather [hbm4b:s24+s4], $0x50, $0x38;
	[tilespmem:$0x1C580] =	vst v63  }
0x5c: {  	_ =	swait.ge [sflag:s17], $0x50  }
0x5d: {  	[sflag:s17] =	ssyncset.done $0x0  }
0x5e: {  	s31 =	sadd.s32 s23, s14;
	[sflag:s17] =	ssyncadd.s32 $0xFFFFFFB0  }
0x5f: {  	[tilespmem:s18], [sflag:$0x2] =	stream.linear.gather [hbm4b:s31+s4], $0x50, $0x38;
	[tilespmem:$0x1C580] =	vst v63  }
0x60: {  	_ =	swait.ge [sflag:s17], $0x50  }
0x61: {  	[sflag:s17] =	ssyncset.done $0x0  }
0x62: {  	[sflag:s17] =	ssyncadd.s32 $0xFFFFFFB0  }
0x63: {  	[tilespmem:s20], [sflag:$0x1] =	stream.indirect.gather [hbm4b:s1+s19], $0x80, s4, s19, $0xb8;
	[tilespmem:$0x1C580] =	vst v63  }
0x64: {  	_ =	swait.ge [sflag:s21], $0x2800  }
0x65: {  	[sflag:s21] =	ssyncset.done $0x0  }
0x66: {  	[sflag:s21] =	ssyncadd.s32 $0xFFFFD800  }
0x67: {  	[spmem:s3] =	stream.indirect.scatter.add.f32 [tilespmem:s20], [sflag:$0x2], $0x80, s18, s19, $0xb8;
	[tilespmem:$0x1C580] =	vst v63  }
0x68: {  	_ =	swait.ge [sflag:s17], $0x2800  }
0x69: {  	[sflag:s17] =	ssyncset.done $0x0  }
0x6a: {  	[sflag:s17] =	ssyncadd.s32 $0xFFFFD800  }
0x6b: {  	[bflag:$0x0] =	sbarrier.arrive $0xFFFF  }
0x6c: {  	[tilespmem:s16], [sflag:$0x2] =	stream.linear.gather [spmem:s5], $0x6400, $0x38;
	[tilespmem:$0x1C580] =	vst v63  }
0x6d: {  	_ =	swait.ge [sflag:s17], $0x6400  }
0x6e: {  	[sflag:s17] =	ssyncset.done $0x0  }
0x6f: {  	[sflag:s17] =	ssyncadd.s32 $0xFFFF9C00  }
0x70: {  	[hbm4b:s9+s4] =	stream.linear.scatter [tilespmem:s16], [sflag:$0x2], $0x6400, $0x38;
	[tilespmem:$0x1C580] =	vst v63  }
0x71: {  	_ =	swait.ge [sflag:s17], $0x6400  }
0x72: {  	[sflag:s17] =	ssyncset.done $0x0  }
0x73: {  	[sflag:s17] =	ssyncadd.s32 $0xFFFF9C00  }
0x74: {  	[tilespmem:s16], [sflag:$0x2] =	stream.linear.gather [spmem:s6], $0x6400, $0x38;
	[tilespmem:$0x1C580] =	vst v63  }
0x75: {  	_ =	swait.ge [sflag:s17], $0x6400  }
0x76: {  	[sflag:s17] =	ssyncset.done $0x0  }
0x77: {  	[sflag:s17] =	ssyncadd.s32 $0xFFFF9C00  }
0x78: {  	[hbm4b:s10+s4] =	stream.linear.scatter [tilespmem:s16], [sflag:$0x2], $0x6400, $0x38;
	[tilespmem:$0x1C580] =	vst v63  }
0x79: {  	_ =	swait.ge [sflag:s17], $0x6400  }
0x7a: {  	[sflag:s17] =	ssyncset.done $0x0  }
0x7b: {  	[sflag:s17] =	ssyncadd.s32 $0xFFFF9C00  }
0x7c: {  	[tilespmem:s16], [sflag:$0x2] =	stream.linear.gather [spmem:s7], $0x6400, $0x38;
	[tilespmem:$0x1C580] =	vst v63  }
0x7d: {  	_ =	swait.ge [sflag:s17], $0x6400  }
0x7e: {  	[sflag:s17] =	ssyncset.done $0x0  }
0x7f: {  	[sflag:s17] =	ssyncadd.s32 $0xFFFF9C00  }
0x80: {  	[hbm4b:s11+s4] =	stream.linear.scatter [tilespmem:s16], [sflag:$0x2], $0x6400, $0x38;
	[tilespmem:$0x1C580] =	vst v63  }
0x81: {  	_ =	swait.ge [sflag:s17], $0x6400  }
0x82: {  	[sflag:s17] =	ssyncset.done $0x0  }
0x83: {  	s23 =	simm.s32 @!p0 $0x2900;
	s24 =	simm.s32 @!p0 $0x2;
	[sflag:s17] =	ssyncadd.s32 $0xFFFF9C00  }
0x84: {  	[tilespmem:s23], [sflag:$0x2] =	stream.linear.gather @!p0 [spmem:s8], $0x6400, $0x38;
	[tilespmem:$0x1C580] =	vst v63  }
0x85: {  	s22 =	sadd.s32 $0x1, s22;
	_ =	swait.ge @!p0 [sflag:s24], $0x6400  }
0x86: {  	p1 =	sne.s32 s22, s13;
	[sflag:s24] =	ssyncset.done @!p0 $0x0  }
.Ltmp2:
0x87: {  	s25 =	simm.s32 @!p0 $0x0;
	[sflag:s24] =	ssyncadd.s32 @!p0 $0xFFFF9C00;
	(pc) =	sbr.rel @p1 .LBB2_1-.Ltmp2, $4  }
0x88: {  	[hbm4b:s12+s25] =	stream.linear.scatter @!p0 [tilespmem:s23], [sflag:$0x2], $0x6400, $0x38;
	[tilespmem:$0x1C580] =	vst v63  }
0x89: {  	_ =	swait.ge @!p0 [sflag:s24], $0x6400  }
0x8a: {  	[sflag:s24] =	ssyncset.done @!p0 $0x0  }
0x8b: {  	[sflag:s24] =	ssyncadd.s32 @!p0 $0xFFFF9C00  }
0x8c: {  	_ =	sfence.sel $0x180000  }
0x8d: {  	[bflag:$0x0] =	sbarrier.arrive $0xFFFF  }
0x8e: {  	p0 =	sne.s32 s0, $0x0;
	_ =	strace $0x9000004D  }
0x8f: {  	s0 =	sadd.s32 @!p0 $0x100000, s2;
	[bflag:$0x2] =	sbarrier.arrive $0xFFFF  }
0x90: {  	[sflag:s0] =	ssyncadd.tile.s32 @!p0 $0x1;
	_ =	shalt  }
.Lfunc_end2:
_tile_overlayer_lowered:
.L_overlay_start_2:
0x91: {  	(tag) =	ssettag $0x2  }
0x92: {  	s0 =	rddreg [dreg:$0x0];
	s2 =	stileid.u32  }
0x93: {  	s1 =	rddreg [dreg:$0x1];
	p0 =	sne.s32 s2, $0x0  }
0x94: {  	s3 =	rddreg [dreg:$0x2];
	[bflag:$0x3] =	sbarrier.arrive $0xFFFF;
	s2 =	simm.s32 @!p0 $0x1C02  }
0x95: {  	[timem:s3], [sflag:s2] =	dma.local @!p0 [hbm:s0], s1  }
0x96: {  	s0 =	simm.s32 @!p0 $0x2  }
0x97: {  	_ =	swait.ge @!p0 [sflag:s0], s1  }
0x98: {  	s1 =	ssub.s32 @!p0 $0x0, s1;
	[sflag:s0] =	ssyncset.done @!p0 $0x0  }
0x99: {  	[sflag:s0] =	ssyncadd.s32 @!p0 s1  }
0x9a: {  	[bflag:$0x3] =	sbarrier.arrive $0xFFFF  }
0x9b: {  	_ =	shalt  }

// kernel: kernel.8.cloned.1.call-start
scs
__scs_entry_jumppad:
0x0: {  	(pc) =	sbr.rel $0x88, $3  }
0x1: {  	(tag) =	ssettag $0x0;
	lr =	simm.s32 $0x1  }
0x2: {  	[smem:$0x3F99] =	sst lr;
	_ =	strace $0xD0000000  }
0x3: {  	_ = 	snop  }
0x4: {  	_ = 	snop  }
0x5: {  	_ = 	snop  }
0x6: {  	_ = 	snop  }
0x7: {  	_ = 	snop  }
__scs_overlays_trampoline_lowered:
0x8: {  	[smem:$0x3FA8] =	sst s0  }
0x9: {  	[smem:$0x3FA9] =	sst s1  }
0xa: {  	[smem:$0x3FAA] =	sst s2  }
0xb: {  	[smem:$0x3FAB] =	sst s3  }
0xc: {  	[smem:$0x3FAC] =	sst s4  }
0xd: {  	[smem:$0x3FAD] =	sst s5  }
0xe: {  	[smem:$0x3FAE] =	sst s6  }
0xf: {  	[smem:$0x3FAF] =	sst s7  }
0x10: {  	[smem:$0x3FB0] =	sst s8  }
0x11: {  	[smem:$0x3FB1] =	sst s9;
	s0 =	simm.s32 @!p0 $0x0  }
0x12: {  	s1 =	sld [smem:$0x3F97];
	s0 =	simm.s32 @p0 $0x1  }
0x13: {  	[smem:$0x3FB2] =	sst s0;
	s0 =	simm.s32 @!p1 $0x0  }
0x14: {  	s2 =	sld [smem:$0x3F96];
	s0 =	simm.s32 @p1 $0x1  }
0x15: {  	[smem:$0x3FB3] =	sst s0;
	s0 =	simm.s32 @!p2 $0x0  }
0x16: {  	s3 =	sld [smem:$0x3FDB];
	s0 =	simm.s32 @p2 $0x1  }
0x17: {  	s4 =	simm.s32 $0x1BF5;
	[smem:$0x3FB5] =	sst s0  }
0x18: {  	s0 =	sld [smem:$0x3F98];
	_ =	swait.ge [sflag:s4], $0x0  }
0x19: {  	s7 =	sld [smem:$0x3F99]  }
0x1a: {  	s8 =	sadd.s32 $0xFFFFE003, lr  }
0x1b: {  	s9 =	sadd.s32 $0xFFFFFEF7, lr;
	s5 =	simm.s32 $0xFFFFFFFF;
	p2 =	slt.u32 s8, $0xFFFFF086  }
0x1c: {  	p1 =	slt.u32 s9, $0xF7A;
	s5 =	simm.s32 @!p2 $0x0  }
0x1d: {  	s5 =	simm.s32 @p1 $0x1;
	p0 =	seq.s32 s7, s2  }
0x1e: {  	s7 =	smul.u32 @!p0 $0xF7A, s2;
	p2 =	seq.s32 @!p0 s5, $0x0  }
0x1f: {  	s9 =	smul.u32 $0xF7A, s1;
	s8 =	simm.s32 @!p0 $0x1BF5;
	p2 =	por !p2, p0  }
0x20: {  	[sflag:s8] =	ssyncset.s32 @!p0 $0xFFFFF086;
	s6 =	sadd.s32 @!p0 s3, s7;
	s7 =	simm.s32 @!p0 $0x108  }
0x21: {  	s3 =	sadd.s32 s3, s9;
	s6 =	sadd.s32 @!p0 $0x88, s6;
	s7 =	simm.s32 @p2 $0x1082  }
0x22: {  	[simem:s7], [sflag:s8] =	dma.local @!p0 [hbm:s6], $0xF7A  }
0x23: {  	s9 =	sor.u32 $0xD0000000, s2;
	s6 =	simm.s32 $0x108;
	_ =	swait.ge @!p0 [sflag:s8], $0x0  }
0x24: {  	s3 =	sadd.s32 $0x88, s3;
	s6 =	simm.s32 @!p1 $0x1082;
	[sflag:s4] =	ssyncset.s32 $0xFFFFF086  }
0x25: {  	[simem:s6], [sflag:s4] =	dma.local [hbm:s3], $0xF7A  }
0x26: {  	[smem:$0x3F99] =	sst s1;
	(tag) =	ssettag s2;
	_ =	strace s9  }
0x27: {  	s1 =	sld [smem:$0x3FA9]  }
0x28: {  	s2 =	sld [smem:$0x3FAA]  }
0x29: {  	s4 =	sld [smem:$0x3FAC]  }
0x2a: {  	p0 =	seq.s32 s5, $0x0;
	s5 =	sld [smem:$0x3FAD]  }
0x2b: {  	s6 =	sld [smem:$0x3FAE]  }
0x2c: {  	s7 =	sld [smem:$0x3FAF]  }
0x2d: {  	s3 =	simm.s32 $0x108;
	s8 =	sld [smem:$0x3FB0]  }
0x2e: {  	s3 =	simm.s32 @!p0 $0x1082;
	s9 =	sld [smem:$0x3FB1]  }
0x2f: {  	lr =	sadd.s32 s0, s3;
	s0 =	sld [smem:$0x3FA8]  }
0x30: {  	s3 =	sld [smem:$0x3FAB]  }
0x31: {  	[smem:$0x3FB4] =	sst s10  }
0x32: {  	s10 =	sld [smem:$0x3FB2];
	_ =	sdelay $0x3  }
0x33: {  	p0 =	seq.s32 s10, $0x1;
	s10 =	sld [smem:$0x3FB4];
	_ =	sdelay $0x3  }
0x34: {  	[smem:$0x3FB4] =	sst s10  }
0x35: {  	s10 =	sld [smem:$0x3FB3];
	_ =	sdelay $0x3  }
0x36: {  	p1 =	seq.s32 s10, $0x1;
	s10 =	sld [smem:$0x3FB4];
	_ =	sdelay $0x3  }
0x37: {  	[smem:$0x3FB4] =	sst s10  }
0x38: {  	s10 =	sld [smem:$0x3FB5]  }
0x39: {  	_ = 	snop;
	(pc) =	sbr.ind lr, $3  }
0x3a: {  	_ = 	snop  }
0x3b: {  	_ = 	snop  }
0x3c: {  	p2 =	seq.s32 s10, $0x1;
	s10 =	sld [smem:$0x3FB4]  }
0x3d: {  	_ =	shalt  }
0x3e: {  	_ =	shalt  }
0x3f: {  	_ =	shalt  }
0x40: {  	_ =	shalt  }
0x41: {  	_ =	shalt  }
0x42: {  	_ =	shalt  }
0x43: {  	_ =	shalt  }
0x44: {  	_ =	shalt  }
0x45: {  	_ =	shalt  }
0x46: {  	_ =	shalt  }
0x47: {  	_ =	shalt  }
0x48: {  	_ =	shalt  }
0x49: {  	_ =	shalt  }
0x4a: {  	_ =	shalt  }
0x4b: {  	_ =	shalt  }
0x4c: {  	_ =	shalt  }
0x4d: {  	_ =	shalt  }
0x4e: {  	_ =	shalt  }
0x4f: {  	_ =	shalt  }
0x50: {  	_ =	shalt  }
0x51: {  	_ =	shalt  }
0x52: {  	_ =	shalt  }
0x53: {  	_ =	shalt  }
0x54: {  	_ =	shalt  }
0x55: {  	_ =	shalt  }
0x56: {  	_ =	shalt  }
0x57: {  	_ =	shalt  }
0x58: {  	_ =	shalt  }
0x59: {  	_ =	shalt  }
0x5a: {  	_ =	shalt  }
0x5b: {  	_ =	shalt  }
0x5c: {  	_ =	shalt  }
0x5d: {  	_ =	shalt  }
0x5e: {  	_ =	shalt  }
0x5f: {  	_ =	shalt  }
0x60: {  	_ =	shalt  }
0x61: {  	_ =	shalt  }
0x62: {  	_ =	shalt  }
0x63: {  	_ =	shalt  }
0x64: {  	_ =	shalt  }
0x65: {  	_ =	shalt  }
0x66: {  	_ =	shalt  }
0x67: {  	_ =	shalt  }
0x68: {  	_ =	shalt  }
0x69: {  	_ =	shalt  }
0x6a: {  	_ =	shalt  }
0x6b: {  	_ =	shalt  }
0x6c: {  	_ =	shalt  }
0x6d: {  	_ =	shalt  }
0x6e: {  	_ =	shalt  }
0x6f: {  	_ =	shalt  }
0x70: {  	_ =	shalt  }
0x71: {  	_ =	shalt  }
0x72: {  	_ =	shalt  }
0x73: {  	_ =	shalt  }
0x74: {  	_ =	shalt  }
0x75: {  	_ =	shalt  }
0x76: {  	_ =	shalt  }
0x77: {  	_ =	shalt  }
0x78: {  	_ =	shalt  }
0x79: {  	_ =	shalt  }
0x7a: {  	_ =	shalt  }
0x7b: {  	_ =	shalt  }
0x7c: {  	_ =	shalt  }
0x7d: {  	_ =	shalt  }
0x7e: {  	_ =	shalt  }
0x7f: {  	_ =	shalt  }
0x80: {  	_ =	shalt  }
0x81: {  	_ =	shalt  }
0x82: {  	_ =	shalt  }
0x83: {  	_ =	shalt  }
0x84: {  	_ =	shalt  }
0x85: {  	_ =	shalt  }
0x86: {  	_ =	shalt  }
0x87: {  	_ =	shalt  }
.Lfunc_end0:
.L_simem_size_0:
called_computation_lowered:
.L_overlay_start_0:
0x88: {  	s2 =	sld [smem:$0x3FD9]  }
0x89: {  	s3 =	sld [smem:$0x3FFE];
	_ =	sdelay $0x1  }
0x8a: {  	s1 =	srdreg.scid  }
0x8b: {  	s0 =	sand.u32 $0x1, s1  }
0x8c: {  	s16 =	sshll.u32 s0, $0xA;
	s2 =	sadd.s32 s3, s2  }
0x8d: {  	s2 =	sadd.s32 s2, s16  }
0x8e: {  	[smem:$0x3FC0] =	sst s2  }
0x8f: {  	_ = 	snop  }
0x90: {  	(tm) =	ssettm $0x1  }
0x91: {  	s17 =	sld [smem:$0x3FFB];
	_ =	sdelay $0x3  }
0x92: {  	_ =	strace s17  }
0x93: {  	s2 =	sld [smem:$0x3FFC];
	_ =	sdelay $0x3  }
0x94: {  	_ =	strace s2  }
0x95: {  	s2 =	sld [smem:$0x3FFD];
	_ =	sdelay $0x3  }
0x96: {  	_ =	strace s2  }
0x97: {  	_ =	strace $0x8FFFFFFF  }
0x98: {  	s18 =	sld [smem:$0x3FDB];
	_ =	sdelay $0x1  }
0x99: {  	s19 =	simm.s32 $_scs_section_size  }
0x9a: {  	s4 =	simm.s32 $_size__tile_overlayer_lowered;
	s5 =	simm.s32 $_tile_overlayer_lowered  }
0x9b: {  	s22 =	simm.s32 $0x1BFF;
	s21 =	sshll.u32 s5, $0x1;
	s2 =	sadd.s32 s19, s18  }
0x9c: {  	s6 =	simm.s32 $0x0;
	s20 =	sshll.u32 s4, $0x1;
	s4 =	sadd.s32 s21, s2  }
0x9d: {  	[timem:s6], [sflag:s22] =	dma.local [hbm:s4], s20  }
0x9e: {  	_ =	swait.ge [sflag:s22], s20  }
0x9f: {  	s3 =	ssub.s32 $0x0, s20;
	[sflag:s22] =	ssyncset.done $0x0  }
0xa0: {  	[sflag:s22] =	ssyncadd.s32 s3;
	_ =	sdelay $0x1  }
0xa1: {  	s23 =	simm.s32 $0x1B8B  }
0xa2: {  	_ =	swait.ge [sflag:s23], $0x1  }
0xa3: {  	[sflag:s23] =	ssyncset.done $0x0  }
0xa4: {  	s25 =	simm.s32 $0x1B8E;
	s24 =	sld [smem:$0x3FFE];
	[sflag:s23] =	ssyncadd.s32 $0xFFFFFFFF  }
0xa5: {  	s26 =	simm.s32 $execute0_lowered;
	[smem:$0x3FD2] =	sst s25  }
0xa6: {  	s4 =	sshll.u32 s26, $0x1;
	_ =	strace $0x80000046;
	[dreg:$0x1] =	wrdreg $0xFFFFFFFF  }
0xa7: {  	s28 =	simm.s32 $_size_execute0_lowered;
	s2 =	sadd.s32 s2, s4;
	[dreg:$0x0] =	wrdreg $0x0  }
0xa8: {  	s4 =	sshll.u32 s28, $0x1;
	[dreg:$0x2] =	wrdreg s2  }
0xa9: {  	[dreg:$0x3] =	wrdreg s4  }
0xaa: {  	[dreg:$0x4] =	wrdreg $0xC0  }
0xab: {  	_ =	task [dreg:s6], $0x5FFFF  }
0xac: {  	[dreg:$0x1] =	wrdreg $0xFFFFFFFF  }
0xad: {  	[dreg:$0x0] =	wrdreg $0x60  }
0xae: {  	[dreg:$0x2] =	wrdreg s24  }
0xaf: {  	[dreg:$0x3] =	wrdreg $0x8C800  }
0xb0: {  	[dreg:$0x4] =	wrdreg $0x9  }
0xb1: {  	_ =	task.clear_ibuf [dreg:s6], $0x5FFFF;
	_ =	strace $0x90000046  }
0xb2: {  	s29 =	simm.s32 $0x9;
	_ =	strace $0x80000048  }
0xb3: {  	_ =	swait.ge [sflag:s29], $0x1  }
0xb4: {  	[sflag:s29] =	ssyncadd.s32 $0xFFFFFFFF  }
0xb5: {  	_ =	strace $0x90000048  }
0xb6: {  	_ =	sfence  }
0xb7: {  	s30 =	sld [smem:$0x0];
	_ =	sdelay $0x2  }
0xb8: {  	s31 =	sshll.u32 s1, $0xD;
	s1 =	sshrl.u32 s1, $0x2  }
0xb9: {  	s3 =	sand.u32 $0x4000, s31;
	s1 =	sadd.s32 s1, s30  }
0xba: {  	s0 =	sor.u32 s3, s0;
	s1 =	sshll.u32 s1, $0x11  }
0xbb: {  	s0 =	sor.u32 s1, s0  }
0xbc: {  	s0 =	sadd.s32 $0x8F2B, s0  }
0xbd: {  	[sflag:s0] =	ssyncadd.remote.s32 $0x1  }
0xbe: {  	_ =	sfence.sel $0xFFFF  }
0xbf: {  	[dreg:$0x0] =	wrdreg $0xFFFFFFFF;
	(pc) =	sbr.abs _section_cstart, $3  }
0xc0: {  	[dreg:$0x1] =	wrdreg $0xFFFFFFFF  }
0xc1: {  	_ =	task.clear_ibuf [dreg:s6], $0x2FFFF;
	_ =	strace $0x9FFFFFFF  }
0xc2: {  	(tm) =	ssettm $0x7FFFFFFF  }
0xc3: {  	_ =	shalt  }
tec
execute0_lowered:
.L_overlay_start_1:
0x0: {  	(tag) =	ssettag $0x1  }
0x1: {  	s0 =	srdreg.scid  }
0x2: {  	s5 =	sand.u32 $0x1, s0  }
0x3: {  	s0 =	stileid.u32;
	s6 =	smul.u32 $0x27100, s5  }
0x4: {  	s4 =	rddreg [dreg:$0x0];
	s7 =	smul.u32 $0x2710, s0  }
0x5: {  	s2 =	rddreg [dreg:$0x1];
	s22 =	smul.u32 $0x19000, s0  }
0x6: {  	s1 =	rddreg [dreg:$0x2];
	s16 =	smul.u32 $0x138800, s5  }
0x7: {  	s3 =	simm.s32 $0x0;
	s23 =	sor.u32 $0x10, s0;
	s28 =	smul.u32 $0x6400, s0  }
0x8: {  	s17 =	simm.s32 $0x50;
	s9 =	sor.u32 $0x20, s0;
	s8 =	smul.u32 $0x19000, s23  }
0x9: {  	s18 =	simm.s32 $0x0;
	s12 =	sor.u32 $0x30, s0;
	s10 =	smul.u32 $0x19000, s9  }
0xa: {  	[smem:$0x7FF] =	sst s3;
	s11 =	sadd.s32 $0x16000, s4;
	s15 =	smul.u32 $0x19000, s12  }
0xb: {  	_ =	strace $0x80000047;
	s24 =	ssub.s32 $0x2, s5;
	s29 =	smul.u32 $0x6400, s23  }
0xc: {  	p0 =	sgt.u32 s0, $0x1;
	s14 =	sshrl.u32 s24, $0x1;
	s9 =	smul.u32 $0x6400, s9  }
0xd: {  	s12 =	smul.u32 $0x6400, s12;
	s6 =	sadd.s32 s7, s6;
	s14 =	ssub.s32 s24, s14  }
0xe: {  	s6 =	sshrl.u32 s6, $0x3;
	s25 =	sshrl.u32 s8, $0x2;
	s26 =	sshrl.u32 s10, $0x2  }
0xf: {  	s30 =	sshrl.u32 s15, $0x2;
	s8 =	sadd.s32 s28, s16;
	s10 =	sadd.s32 s16, s29  }
0x10: {  	s9 =	sadd.s32 s16, s9;
	s12 =	sadd.s32 s16, s12;
	s15 =	simm.s32 $0x1  }
0x11: {  	s16 =	simm.s32 $0x2800;
	s13 =	sadd.s32 s6, s4;
	s6 =	sshrl.u32 s22, $0x2  }
0x12: {  	s5 =	sadd.s32 s25, s2;
	s7 =	sadd.s32 s30, s2;
	s8 =	sshrl.u32 s8, $0x3  }
0x13: {  	s10 =	sshrl.u32 s10, $0x3;
	s31 =	sshrl.u32 s9, $0x3;
	s12 =	sshrl.u32 s12, $0x3  }
0x14: {  	s4 =	sadd.s32 s6, s2;
	s6 =	sadd.s32 s26, s2;
	s8 =	sadd.s32 s11, s8  }
0x15: {  	s9 =	sadd.s32 s11, s10;
	s10 =	sadd.s32 s11, s31;
	s11 =	sadd.s32 s11, s12  }
0x16: {  	v0 =	vimm.f32 $1.000000000e+00;
	v1 =	vimm.f32 $0.0e+00;
	s12 =	smax.u32 s14, $0x1;
	s13 =	sadd.s32 $0xC200, s13;
	s14 =	simm.s32 $0x2880  }
.LBB2_1:
0x17: {  	s19 =	simm.s32 $0x0  }
.LBB2_2:
0x18: {  	p1 =	sne.s32 s19, $0x9E00  }
.Ltmp0:
0x19: {  	_ = 	snop;
	(pc) =	sbr.rel @p1 .LBB2_2-.Ltmp0, $3  }
0x1a: {  	_ =	sdelay $0x1  }
0x1b: {  	s20 =	sshra.s32 s19, $0x2  }
0x1c: {  	s19 =	sadd.s32 $0x200, s19;
	[tilespmem:s20+$0x0] =	vst v0  }
0x1d: {  	s19 =	simm.s32 $0x200;
	s20 =	simm.s32 $0x0  }
.LBB2_4:
0x1e: {  	p1 =	sne.s32 s19, $0x18E00;
	[tilespmem:s20+$0x2880] =	vst v1;
	s20 =	smov.u32 s19;
	s19 =	sadd.s32 $0x200, s19  }
.Ltmp1:
0x1f: {  	(pc) =	sbr.rel @p1 .LBB2_4-.Ltmp1, $2  }
0x20: {  	_ =	sdelay $0x2  }
0x21: {  	s20 =	sshra.s32 s20, $0x2  }
0x22: {  	[tilespmem:s20+$0x2880] =	vst v1  }
0x23: {  	[spmem:s4] =	stream.linear.scatter [tilespmem:s14], [sflag:$0x1], $0x6400, $0x38;
	[tilespmem:$0xB390] =	vst v63  }
0x24: {  	_ =	swait.ge [sflag:s15], $0x6400  }
0x25: {  	[sflag:s15] =	ssyncset.done $0x0  }
0x26: {  	[sflag:s15] =	ssyncadd.s32 $0xFFFF9C00  }
0x27: {  	[spmem:s5] =	stream.linear.scatter [tilespmem:s14], [sflag:$0x1], $0x6400, $0x38;
	[tilespmem:$0xB390] =	vst v63  }
0x28: {  	_ =	swait.ge [sflag:s15], $0x6400  }
0x29: {  	[sflag:s15] =	ssyncset.done $0x0  }
0x2a: {  	[sflag:s15] =	ssyncadd.s32 $0xFFFF9C00  }
0x2b: {  	[spmem:s6] =	stream.linear.scatter [tilespmem:s14], [sflag:$0x1], $0x6400, $0x38;
	[tilespmem:$0xB390] =	vst v63  }
0x2c: {  	_ =	swait.ge [sflag:s15], $0x6400  }
0x2d: {  	[sflag:s15] =	ssyncset.done $0x0  }
0x2e: {  	s19 =	simm.s32 @!p0 $0x2880;
	[sflag:s15] =	ssyncadd.s32 $0xFFFF9C00  }
0x2f: {  	[spmem:s7] =	stream.linear.scatter @!p0 [tilespmem:s19], [sflag:$0x1], $0x6400, $0x38;
	[tilespmem:$0xB390] =	vst v63  }
0x30: {  	s19 =	simm.s32 @!p0 $0x1  }
0x31: {  	_ =	swait.ge @!p0 [sflag:s19], $0x6400  }
0x32: {  	[sflag:s19] =	ssyncset.done @!p0 $0x0  }
0x33: {  	[sflag:s19] =	ssyncadd.s32 @!p0 $0xFFFF9C00  }
0x34: {  	s31 =	sadd.s32 $0x0, s13;
	[bflag:$0x0] =	sbarrier.arrive $0xFFFF  }
0x35: {  	[tilespmem:s16], [sflag:$0x1] =	stream.linear.gather [hbm4b:s31+s3], $0x50, $0x38;
	[tilespmem:$0xB390] =	vst v63  }
0x36: {  	_ =	swait.ge [sflag:s15], $0x50  }
0x37: {  	[sflag:s15] =	ssyncset.done $0x0  }
0x38: {  	[sflag:s15] =	ssyncadd.s32 $0xFFFFFFB0  }
0x39: {  	[spmem:s2] =	stream.indirect.scatter.add.f32 [tilespmem:s3], [sflag:$0x1], $0x10, s16, s17, $0xb8;
	[tilespmem:$0xB390] =	vst v63  }
0x3a: {  	_ =	swait.ge [sflag:s15], $0x500  }
0x3b: {  	s20 =	simm.s32 $0x14;
	s19 =	simm.s32 $0xA;
	[sflag:s15] =	ssyncset.done $0x0  }
.LBB2_6:
0x3c: {  	s21 =	sadd.s32 s19, s13  }
0x3d: {  	[sflag:s15] =	ssyncadd.s32 $0xFFFFFB00;
	s19 =	smov.u32 s20;
	s22 =	sadd.s32 $0xA, s20  }
0x3e: {  	[tilespmem:s16], [sflag:$0x1] =	stream.linear.gather [hbm4b:s21+s3], $0x50, $0x38;
	[tilespmem:$0xB390] =	vst v63  }
0x3f: {  	p1 =	sne.s32 s20, $0x4D8;
	_ =	swait.ge [sflag:s15], $0x50  }
.Ltmp2:
0x40: {  	[sflag:s15] =	ssyncset.done $0x0;
	(pc) =	sbr.rel @p1 .LBB2_6-.Ltmp2, $4  }
0x41: {  	[sflag:s15] =	ssyncadd.s32 $0xFFFFFFB0  }
0x42: {  	[spmem:s2] =	stream.indirect.scatter.add.f32 [tilespmem:s3], [sflag:$0x1], $0x10, s16, s17, $0xb8;
	[tilespmem:$0xB390] =	vst v63  }
0x43: {  	_ =	swait.ge [sflag:s15], $0x500  }
0x44: {  	s20 =	smov.u32 s22;
	[sflag:s15] =	ssyncset.done $0x0  }
0x45: {  	s19 =	sadd.s32 s19, s13;
	[sflag:s15] =	ssyncadd.s32 $0xFFFFFB00  }
0x46: {  	[tilespmem:s16], [sflag:$0x1] =	stream.linear.gather [hbm4b:s19+s3], $0x50, $0x38;
	[tilespmem:$0xB390] =	vst v63  }
0x47: {  	_ =	swait.ge [sflag:s15], $0x50  }
0x48: {  	[sflag:s15] =	ssyncset.done $0x0  }
0x49: {  	[sflag:s15] =	ssyncadd.s32 $0xFFFFFFB0  }
0x4a: {  	[spmem:s2] =	stream.indirect.scatter.add.f32 [tilespmem:s3], [sflag:$0x1], $0x10, s16, s17, $0xb8;
	[tilespmem:$0xB390] =	vst v63  }
0x4b: {  	_ =	swait.ge [sflag:s15], $0x500  }
0x4c: {  	[sflag:s15] =	ssyncset.done $0x0  }
0x4d: {  	[sflag:s15] =	ssyncadd.s32 $0xFFFFFB00  }
0x4e: {  	[bflag:$0x0] =	sbarrier.arrive $0xFFFF  }
0x4f: {  	[tilespmem:s14], [sflag:$0x1] =	stream.linear.gather [spmem:s4], $0x6400, $0x38;
	[tilespmem:$0xB390] =	vst v63  }
0x50: {  	_ =	swait.ge [sflag:s15], $0x6400  }
0x51: {  	[sflag:s15] =	ssyncset.done $0x0  }
0x52: {  	[sflag:s15] =	ssyncadd.s32 $0xFFFF9C00  }
0x53: {  	[hbm4b:s8+s3] =	stream.linear.scatter [tilespmem:s14], [sflag:$0x1], $0x6400, $0x38;
	[tilespmem:$0xB390] =	vst v63  }
0x54: {  	_ =	swait.ge [sflag:s15], $0x6400  }
0x55: {  	[sflag:s15] =	ssyncset.done $0x0  }
0x56: {  	[sflag:s15] =	ssyncadd.s32 $0xFFFF9C00  }
0x57: {  	[tilespmem:s14], [sflag:$0x1] =	stream.linear.gather [spmem:s5], $0x6400, $0x38;
	[tilespmem:$0xB390] =	vst v63  }
0x58: {  	_ =	swait.ge [sflag:s15], $0x6400  }
0x59: {  	[sflag:s15] =	ssyncset.done $0x0  }
0x5a: {  	[sflag:s15] =	ssyncadd.s32 $0xFFFF9C00  }
0x5b: {  	[hbm4b:s9+s3] =	stream.linear.scatter [tilespmem:s14], [sflag:$0x1], $0x6400, $0x38;
	[tilespmem:$0xB390] =	vst v63  }
0x5c: {  	_ =	swait.ge [sflag:s15], $0x6400  }
0x5d: {  	[sflag:s15] =	ssyncset.done $0x0  }
0x5e: {  	[sflag:s15] =	ssyncadd.s32 $0xFFFF9C00  }
0x5f: {  	[tilespmem:s14], [sflag:$0x1] =	stream.linear.gather [spmem:s6], $0x6400, $0x38;
	[tilespmem:$0xB390] =	vst v63  }
0x60: {  	_ =	swait.ge [sflag:s15], $0x6400  }
0x61: {  	[sflag:s15] =	ssyncset.done $0x0  }
0x62: {  	[sflag:s15] =	ssyncadd.s32 $0xFFFF9C00  }
0x63: {  	[hbm4b:s10+s3] =	stream.linear.scatter [tilespmem:s14], [sflag:$0x1], $0x6400, $0x38;
	[tilespmem:$0xB390] =	vst v63  }
0x64: {  	_ =	swait.ge [sflag:s15], $0x6400  }
0x65: {  	[sflag:s15] =	ssyncset.done $0x0  }
0x66: {  	s20 =	simm.s32 @!p0 $0x1;
	s19 =	simm.s32 @!p0 $0x2880;
	[sflag:s15] =	ssyncadd.s32 $0xFFFF9C00  }
0x67: {  	[tilespmem:s19], [sflag:$0x1] =	stream.linear.gather @!p0 [spmem:s7], $0x6400, $0x38;
	[tilespmem:$0xB390] =	vst v63  }
0x68: {  	s18 =	sadd.s32 $0x1, s18;
	_ =	swait.ge @!p0 [sflag:s20], $0x6400  }
0x69: {  	p1 =	sne.s32 s18, s12;
	[sflag:s20] =	ssyncset.done @!p0 $0x0  }
.Ltmp3:
0x6a: {  	s21 =	simm.s32 @!p0 $0x0;
	[sflag:s20] =	ssyncadd.s32 @!p0 $0xFFFF9C00;
	(pc) =	sbr.rel @p1 .LBB2_1-.Ltmp3, $4  }
0x6b: {  	[hbm4b:s11+s21] =	stream.linear.scatter @!p0 [tilespmem:s19], [sflag:$0x1], $0x6400, $0x38;
	[tilespmem:$0xB390] =	vst v63  }
0x6c: {  	_ =	swait.ge @!p0 [sflag:s20], $0x6400  }
0x6d: {  	[sflag:s20] =	ssyncset.done @!p0 $0x0  }
0x6e: {  	[sflag:s20] =	ssyncadd.s32 @!p0 $0xFFFF9C00  }
0x6f: {  	_ =	sfence.sel $0x180000  }
0x70: {  	[bflag:$0x0] =	sbarrier.arrive $0xFFFF  }
0x71: {  	p0 =	sne.s32 s0, $0x0;
	_ =	strace $0x90000047  }
0x72: {  	s0 =	sadd.s32 @!p0 $0x100000, s1;
	[bflag:$0x2] =	sbarrier.arrive $0xFFFF  }
0x73: {  	[sflag:s0] =	ssyncadd.tile.s32 @!p0 $0x1;
	_ =	shalt  }
.Lfunc_end2:
_tile_overlayer_lowered:
.L_overlay_start_2:
0x74: {  	(tag) =	ssettag $0x2  }
0x75: {  	s0 =	rddreg [dreg:$0x0];
	s2 =	stileid.u32  }
0x76: {  	s1 =	rddreg [dreg:$0x1];
	p0 =	sne.s32 s2, $0x0  }
0x77: {  	s3 =	rddreg [dreg:$0x2];
	[bflag:$0x3] =	sbarrier.arrive $0xFFFF;
	s2 =	simm.s32 @!p0 $0x1C01  }
0x78: {  	[timem:s3], [sflag:s2] =	dma.local @!p0 [hbm:s0], s1  }
0x79: {  	s0 =	simm.s32 @!p0 $0x1  }
0x7a: {  	_ =	swait.ge @!p0 [sflag:s0], s1  }
0x7b: {  	s1 =	ssub.s32 @!p0 $0x0, s1;
	[sflag:s0] =	ssyncset.done @!p0 $0x0  }
0x7c: {  	[sflag:s0] =	ssyncadd.s32 @!p0 s1  }
0x7d: {  	[bflag:$0x3] =	sbarrier.arrive $0xFFFF  }
0x7e: {  	_ =	shalt  }

</sc_bundles>
